<compile_context>
chip_gen: v7x
topology: tpu7x:2x2x1
jax: 0.10.2.dev20260603
libtpu: 0.0.44.dev20260713+nightly
codegen_flags: <defaults>
</compile_context>

<pallas_src>
import functools

import jax
import jax.numpy as jnp
from jax import lax
from jax.experimental import pallas as pl
from jax.experimental.pallas import tpu as pltpu
from jax.experimental.pallas import tpu_sc as plsc

D_MODEL = 64
N_VOCAB = 1000
B = 4096
T = 200

NC = 2
NS = 16
NW = NC * NS

TOTAL = B * T
LANES = 16
BTILE = 128
DTILE = 8
NBT = B // BTILE
NDT = D_MODEL // DTILE
QUART = B // 4
UNITS = T * 4
PER_W = UNITS // NW
UNIT_IDX = QUART
NGRP = QUART // LANES
CHUNK = DTILE * 8 * BTILE
T_STRIDE = NDT * NBT * DTILE * BTILE
DT_STRIDE = NBT * DTILE * BTILE


def _bias_body(table_ref, base_ref, out_ref):
    out_ref[...] = table_ref[...] + base_ref[...]


def _bias_table(emb_table, base_emb):
    return pl.pallas_call(
        _bias_body,
        out_shape=jax.ShapeDtypeStruct(emb_table.shape, emb_table.dtype),
    )(emb_table, base_emb.reshape(1, D_MODEL))


def _gather_body(table_hbm, idx_hbm, out_hbm, table_v, idx_v, outb, ssem):
    wid = lax.axis_index("s") * NC + lax.axis_index("c")
    pltpu.sync_copy(table_hbm, table_v)
    u0 = wid * PER_W
    pltpu.sync_copy(idx_hbm.at[pl.ds(u0 * UNIT_IDX, PER_W * UNIT_IDX)], idx_v)

    def drain_store(sb):
        pltpu.make_async_copy(
            out_hbm.at[pl.ds(0, CHUNK)], outb.at[sb], ssem.at[sb]
        ).wait()

    def unit(j, _):
        t = (u0 + j) // 4
        q = (u0 + j) % 4
        out_base = t * T_STRIDE + q * CHUNK
        for dt in range(NDT):
            sb = dt % 2

            if dt >= 2:
                drain_store(sb)
            else:

                @pl.when(j >= 1)
                def _():
                    drain_store(sb)

            def grp(g, _, dt=dt, sb=sb):
                idxvec = idx_v[pl.ds(j * UNIT_IDX + g * LANES, LANES)]
                rowoff = idxvec * D_MODEL
                off = (
                    lax.shift_right_logical(g, 3) * (DTILE * BTILE)
                    + lax.bitwise_and(g, 7) * LANES
                )
                for ds in range(DTILE):
                    d = dt * DTILE + ds
                    v = plsc.load_gather(table_v, [rowoff + d])
                    outb[sb, pl.ds(off + ds * BTILE, LANES)] = v
                return ()

            lax.fori_loop(0, NGRP, grp, (), unroll=False)
            pltpu.async_copy(
                outb.at[sb],
                out_hbm.at[pl.ds(out_base + dt * DT_STRIDE, CHUNK)],
                ssem.at[sb],
            )
        return ()

    lax.fori_loop(0, PER_W, unit, (), unroll=False)
    drain_store(0)
    drain_store(1)


@jax.jit
def kernel(actions, emb_table, base_emb):
    biased = _bias_table(emb_table, base_emb)
    idx = actions.astype(jnp.int32).T.reshape(TOTAL)

    mesh = plsc.VectorSubcoreMesh(core_axis_name="c", subcore_axis_name="s")
    out = pl.kernel(
        _gather_body,
        out_type=jax.ShapeDtypeStruct((TOTAL * D_MODEL,), jnp.float32),
        mesh=mesh,
        scratch_types=[
            pltpu.VMEM((N_VOCAB * D_MODEL,), jnp.float32),
            pltpu.VMEM((PER_W * UNIT_IDX,), jnp.int32),
            pltpu.VMEM((2, CHUNK), jnp.float32),
            pltpu.SemaphoreType.DMA((2,)),
        ],
        compiler_params=pltpu.CompilerParams(
            use_tc_tiling_on_sc=False, needs_layout_passes=False
        ),
    )(biased.reshape(N_VOCAB * D_MODEL), idx)
    out5 = out.reshape(T, NDT, NBT, DTILE, BTILE)
    out3 = out5.transpose(2, 4, 0, 1, 3).reshape(B, T, D_MODEL)
    return out3[:, :, None, :]

# --- scband reference (transcript-rebuilt; emitter-appended) ---
"""Pipeline reference for scband-action-encoder-3152505995927 (READ-ONLY COPY).

The authoritative reference and input builder live on the scoring server;
editing this copy changes nothing except your own understanding.
"""

import jax, jax.numpy as jnp
import numpy as np

D_MODEL = 64
N_KEYBOARD = 1000
B = 4096
T = 200

def setup_inputs(seed: int = 0) -> dict:
    key = jax.random.key(seed)
    k1, k2, k3 = jax.random.split(key, 3)
    actions = jax.random.randint(k1, (B, T), 0, N_KEYBOARD, dtype=jnp.int64 if jax.config.jax_enable_x64 else jnp.int32)
    # learned params per init_kwargs
    base_emb = jax.random.normal(k2, (D_MODEL,), dtype=jnp.float32) * 0.02
    # nnx.Embed default init ~ normal(stddev=1/sqrt(features)) scaled; use small normal init
    emb_table = jax.random.normal(k3, (N_KEYBOARD, D_MODEL), dtype=jnp.float32) * 0.02
    return {"actions": actions, "emb_table": emb_table, "base_emb": base_emb}

def reference(actions, emb_table, base_emb):
    # ActionEncoder.__call__ with actions provided, as_tokens=True
    emb_key = jnp.take(emb_table, actions, axis=0)          # [B, T, d_model] gather
    out = emb_key + base_emb                                 # broadcast add of base embedding
    out = out[:, :, None, :]                                 # as_tokens -> [B, T, 1, d_model]
    return out

if __name__ == "__main__":
    import jax
    _d = setup_inputs()
    print(jax.jit(kernel)(*tuple(_d.values())))

</pallas_src>

<mosaic_0001>
#map = affine_map<(d0, d1) -> (0)>
module attributes {stable_mosaic.version = 14 : i64} {
  func.func @_gather_body(%arg0: i32, %arg1: i32, %arg2: memref<64000xf32, #tpu.memory_space<hbm>>, %arg3: memref<819200xi32, #tpu.memory_space<hbm>>, %arg4: memref<52428800xf32, #tpu.memory_space<hbm>>, %arg5: memref<64000xf32, #tpu.memory_space<vmem>>, %arg6: memref<25600xi32, #tpu.memory_space<vmem>>, %arg7: memref<2x8192xf32, #tpu.memory_space<vmem>>, %arg8: memref<2x!tpu.dma_semaphore, #tpu.memory_space<semaphore_mem>>) attributes {dimension_semantics = [#tpu.dimension_semantics<core_parallel>, #tpu.dimension_semantics<subcore_parallel>], iteration_bounds = array<i64: 2, 16>, scalar_prefetch = 0 : i64, scratch_operands = 4 : i64, tpu.core_type = #tpu.core_type<sc_vector_subcore>, window_params = [{transform_indices = #map}, {transform_indices = #map}, {transform_indices = #map}]} {
    %mul3A = arith.constant 2 : i32
    %mul3A_0 = arith.muli %arg1, %mul3A : i32
    %add3A = arith.addi %mul3A_0, %arg0 : i32
    "tpu.region"() ({
      %run_scoped3A = tpu.sem_alloc : memref<!tpu.dma_semaphore, #tpu.memory_space<semaphore_mem>>
      tpu.enqueue_dma source(%arg2 : memref<64000xf32, #tpu.memory_space<hbm>>) target(%arg5 : memref<64000xf32, #tpu.memory_space<vmem>>) target_semaphore(%run_scoped3A : memref<!tpu.dma_semaphore, #tpu.memory_space<semaphore_mem>>)
      tpu.wait_dma2 semaphore(%run_scoped3A : memref<!tpu.dma_semaphore, #tpu.memory_space<semaphore_mem>>) src(%arg2 : memref<64000xf32, #tpu.memory_space<hbm>>) dst(%arg5 : memref<64000xf32, #tpu.memory_space<vmem>>)
      tpu.yield
    }) : () -> ()
    %mul3A_1 = arith.constant 25 : i32
    %mul3A_2 = arith.muli %add3A, %mul3A_1 : i32
    %mul3A_3 = arith.constant 1024 : i32
    %mul3A_4 = arith.muli %mul3A_2, %mul3A_3 : i32
    "tpu.region"() ({
      %run_scoped3A = tpu.sem_alloc : memref<!tpu.dma_semaphore, #tpu.memory_space<semaphore_mem>>
      %dma_start3A = tpu.memref_slice %arg3[%mul3A_4] : memref<819200xi32, #tpu.memory_space<hbm>> -> memref<25600xi32, #tpu.memory_space<hbm>>
      %dma_start3A_36 = tpu.memref_slice %arg3[%mul3A_4] : memref<819200xi32, #tpu.memory_space<hbm>> -> memref<25600xi32, #tpu.memory_space<hbm>>
      tpu.enqueue_dma source(%dma_start3A_36 : memref<25600xi32, #tpu.memory_space<hbm>>) target(%arg6 : memref<25600xi32, #tpu.memory_space<vmem>>) target_semaphore(%run_scoped3A : memref<!tpu.dma_semaphore, #tpu.memory_space<semaphore_mem>>)
      %dma_wait3A_37 = tpu.memref_slice %arg3[%mul3A_4] : memref<819200xi32, #tpu.memory_space<hbm>> -> memref<25600xi32, #tpu.memory_space<hbm>>
      %dma_wait3A_38 = tpu.memref_slice %arg3[%mul3A_4] : memref<819200xi32, #tpu.memory_space<hbm>> -> memref<25600xi32, #tpu.memory_space<hbm>>
      tpu.wait_dma2 semaphore(%run_scoped3A : memref<!tpu.dma_semaphore, #tpu.memory_space<semaphore_mem>>) src(%dma_wait3A_38 : memref<25600xi32, #tpu.memory_space<hbm>>) dst(%arg6 : memref<25600xi32, #tpu.memory_space<vmem>>)
      tpu.yield
    }) : () -> ()
    %scan3A = arith.constant 0 : i32
    %scan3A_5 = arith.constant 25 : i32
    %scan3A_6 = arith.addi %scan3A, %scan3A_5 : i32
    %scan3A_7 = arith.constant 1 : i32
    scf.for %scan3A_36 = %scan3A to %scan3A_6 step %scan3A_7  : i32 {
      %add3A_37 = arith.addi %mul3A_2, %scan3A_36 : i32
      %jit3A = arith.constant 4 : i32
      %div3A = arith.divsi %add3A_37, %jit3A : i32
      %sign3A = arith.constant 0 : i32
      %sign3A_38 = arith.cmpi sgt, %add3A_37, %sign3A : i32
      %sign3A_39 = arith.extui %sign3A_38 : i1 to i32
      %sign3A_40 = arith.constant 0 : i32
      %sign3A_41 = arith.cmpi slt, %add3A_37, %sign3A_40 : i32
      %sign3A_42 = arith.extui %sign3A_41 : i1 to i32
      %sign3A_43 = arith.subi %sign3A_39, %sign3A_42 : i32
      %sign3A_44 = arith.constant 0 : i32
      %sign3A_45 = arith.cmpi sgt, %jit3A, %sign3A_44 : i32
      %sign3A_46 = arith.extui %sign3A_45 : i1 to i32
      %sign3A_47 = arith.constant 0 : i32
      %sign3A_48 = arith.cmpi slt, %jit3A, %sign3A_47 : i32
      %sign3A_49 = arith.extui %sign3A_48 : i1 to i32
      %sign3A_50 = arith.subi %sign3A_46, %sign3A_49 : i32
      %ne3A = arith.cmpi ne, %sign3A_43, %sign3A_50 : i32
      %rem3A = arith.remsi %add3A_37, %jit3A : i32
      %ne3A_51 = arith.constant 0 : i32
      %ne3A_52 = arith.cmpi ne, %rem3A, %ne3A_51 : i32
      %and3A = arith.andi %ne3A, %ne3A_52 : i1
      %sub3A = arith.constant 1 : i32
      %sub3A_53 = arith.subi %div3A, %sub3A : i32
      %select_n3A = arith.select %and3A, %sub3A_53, %div3A : i32
      %add3A_54 = arith.addi %mul3A_2, %scan3A_36 : i32
      %jit3A_55 = arith.constant 4 : i32
      %eq3A = arith.constant 0 : i32
      %eq3A_56 = arith.cmpi eq, %jit3A_55, %eq3A : i32
      %jit3A_57 = arith.constant 1 : i32
      %select_n3A_58 = arith.select %eq3A_56, %jit3A_57, %jit3A_55 : i32
      %rem3A_59 = arith.remsi %add3A_54, %select_n3A_58 : i32
      %ne3A_60 = arith.constant 0 : i32
      %ne3A_61 = arith.cmpi ne, %rem3A_59, %ne3A_60 : i32
      %lt3A = arith.constant 0 : i32
      %lt3A_62 = arith.cmpi slt, %rem3A_59, %lt3A : i32
      %lt3A_63 = arith.constant 0 : i32
      %lt3A_64 = arith.cmpi slt, %select_n3A_58, %lt3A_63 : i32
      %ne3A_65 = arith.xori %lt3A_62, %lt3A_64 : i1
      %and3A_66 = arith.andi %ne3A_65, %ne3A_61 : i1
      %add3A_67 = arith.addi %rem3A_59, %select_n3A_58 : i32
      %select_n3A_68 = arith.select %and3A_66, %add3A_67, %rem3A_59 : i32
      %mul3A_69 = arith.constant 262144 : i32
      %mul3A_70 = arith.muli %select_n3A, %mul3A_69 : i32
      %mul3A_71 = arith.constant 8192 : i32
      %mul3A_72 = arith.muli %select_n3A_68, %mul3A_71 : i32
      %add3A_73 = arith.addi %mul3A_70, %mul3A_72 : i32
      %ge3A = arith.constant 1 : i32
      %ge3A_74 = arith.cmpi sge, %scan3A_36, %ge3A : i32
      %convert_element_type3A = arith.extui %ge3A_74 : i1 to i32
      %cond3A = arith.constant 0 : i32
      %cond3A_75 = arith.cmpi ne, %convert_element_type3A, %cond3A : i32
      scf.if %cond3A_75 {
        %dma_wait3A_316 = arith.constant 0 : i32
        %dma_wait3A_317 = arith.constant 0 : i32
        %dma_wait3A_318 = arith.constant 0 : i32
        %dma_wait3A_319 = tpu.memref_slice %arg7[%dma_wait3A_316, %dma_wait3A_318] : memref<2x8192xf32, #tpu.memory_space<vmem>> -> memref<1x8192xf32, #tpu.memory_space<vmem>>
        %dma_wait3A_320 = tpu.memref_squeeze %dma_wait3A_319 : memref<1x8192xf32, #tpu.memory_space<vmem>> -> memref<8192xf32, #tpu.memory_space<vmem>>
        %dma_wait3A_321 = arith.constant 0 : i32
        %dma_wait3A_322 = tpu.memref_slice %arg4[%dma_wait3A_321] : memref<52428800xf32, #tpu.memory_space<hbm>> -> memref<8192xf32, #tpu.memory_space<hbm>>
        %dma_wait3A_323 = tpu.memref_slice %arg8[%dma_wait3A_317] : memref<2x!tpu.dma_semaphore, #tpu.memory_space<semaphore_mem>> -> memref<1x!tpu.dma_semaphore, #tpu.memory_space<semaphore_mem>>
        %dma_wait3A_324 = tpu.memref_squeeze %dma_wait3A_323 : memref<1x!tpu.dma_semaphore, #tpu.memory_space<semaphore_mem>> -> memref<!tpu.dma_semaphore, #tpu.memory_space<semaphore_mem>>
        %dma_wait3A_325 = arith.constant 0 : i32
        %dma_wait3A_326 = tpu.memref_slice %arg7[%dma_wait3A_316, %dma_wait3A_325] : memref<2x8192xf32, #tpu.memory_space<vmem>> -> memref<1x8192xf32, #tpu.memory_space<vmem>>
        %dma_wait3A_327 = tpu.memref_squeeze %dma_wait3A_326 : memref<1x8192xf32, #tpu.memory_space<vmem>> -> memref<8192xf32, #tpu.memory_space<vmem>>
        %dma_wait3A_328 = arith.constant 0 : i32
        %dma_wait3A_329 = tpu.memref_slice %arg4[%dma_wait3A_328] : memref<52428800xf32, #tpu.memory_space<hbm>> -> memref<8192xf32, #tpu.memory_space<hbm>>
        tpu.wait_dma2 semaphore(%dma_wait3A_324 : memref<!tpu.dma_semaphore, #tpu.memory_space<semaphore_mem>>) src(%dma_wait3A_329 : memref<8192xf32, #tpu.memory_space<hbm>>) dst(%dma_wait3A_327 : memref<8192xf32, #tpu.memory_space<vmem>>)
      } else {
      }
      %scan3A_76 = arith.constant 0 : i32
      %scan3A_77 = arith.constant 64 : i32
      %scan3A_78 = arith.addi %scan3A_76, %scan3A_77 : i32
      %scan3A_79 = arith.constant 1 : i32
      scf.for %scan3A_316 = %scan3A_76 to %scan3A_78 step %scan3A_79  : i32 {
        %mul3A_317 = arith.constant 1024 : i32
        %mul3A_318 = arith.muli %scan3A_36, %mul3A_317 : i32
        %mul3A_319 = arith.constant 16 : i32
        %mul3A_320 = arith.muli %scan3A_316, %mul3A_319 : i32
        %add3A_321 = arith.addi %mul3A_318, %mul3A_320 : i32
        %get3A = arith.index_cast %add3A_321 : i32 to index
        %get3A_322 = tpu.vector_load %arg6[%get3A] {strides = array<i32>} : memref<25600xi32, #tpu.memory_space<vmem>>, vector<16xi32>,
        %mul3A_323 = arith.constant 64 : i32
        %mul3A_324 = vector.broadcast %mul3A_323 : i32 to vector<16xi32>
        %mul3A_325 = arith.muli %get3A_322, %mul3A_324 : vector<16xi32>
        %shift_right_logical3A = arith.constant 3 : i32
        %shift_right_logical3A_326 = arith.shrui %scan3A_316, %shift_right_logical3A : i32
        %mul3A_327 = arith.constant 1024 : i32
        %mul3A_328 = arith.muli %shift_right_logical3A_326, %mul3A_327 : i32
        %and3A_329 = arith.constant 7 : i32
        %and3A_330 = arith.andi %scan3A_316, %and3A_329 : i32
        %mul3A_331 = arith.constant 16 : i32
        %mul3A_332 = arith.muli %and3A_330, %mul3A_331 : i32
        %add3A_333 = arith.addi %mul3A_328, %mul3A_332 : i32
        %add3A_334 = arith.constant 0 : i32
        %add3A_335 = vector.broadcast %add3A_334 : i32 to vector<16xi32>
        %add3A_336 = arith.addi %mul3A_325, %add3A_335 : vector<16xi32>
        %gather3A = tpu.vector_load_idx %arg5[%add3A_336] : memref<64000xf32, #tpu.memory_space<vmem>>[vector<16xi32>], vector<16xf32>,
        %add3A_337 = arith.constant 0 : i32
        %add3A_338 = arith.addi %add3A_333, %add3A_337 : i32
        %swap3A = arith.constant 0 : i32
        %swap3A_339 = arith.index_cast %swap3A : i32 to index
        %swap3A_340 = arith.index_cast %add3A_338 : i32 to index
        %swap3A_341 = tpu.vector_load %arg7[%swap3A_339, %swap3A_340] {strides = array<i32>} : memref<2x8192xf32, #tpu.memory_space<vmem>>, vector<16xf32>,
        tpu.vector_store %arg7[%swap3A_339, %swap3A_340], %gather3A {strides = array<i32>} : memref<2x8192xf32, #tpu.memory_space<vmem>>, vector<16xf32>,
        %add3A_342 = arith.constant 1 : i32
        %add3A_343 = vector.broadcast %add3A_342 : i32 to vector<16xi32>
        %add3A_344 = arith.addi %mul3A_325, %add3A_343 : vector<16xi32>
        %gather3A_345 = tpu.vector_load_idx %arg5[%add3A_344] : memref<64000xf32, #tpu.memory_space<vmem>>[vector<16xi32>], vector<16xf32>,
        %add3A_346 = arith.constant 128 : i32
        %add3A_347 = arith.addi %add3A_333, %add3A_346 : i32
        %swap3A_348 = arith.constant 0 : i32
        %swap3A_349 = arith.index_cast %swap3A_348 : i32 to index
        %swap3A_350 = arith.index_cast %add3A_347 : i32 to index
        %swap3A_351 = tpu.vector_load %arg7[%swap3A_349, %swap3A_350] {strides = array<i32>} : memref<2x8192xf32, #tpu.memory_space<vmem>>, vector<16xf32>,
        tpu.vector_store %arg7[%swap3A_349, %swap3A_350], %gather3A_345 {strides = array<i32>} : memref<2x8192xf32, #tpu.memory_space<vmem>>, vector<16xf32>,
        %add3A_352 = arith.constant 2 : i32
        %add3A_353 = vector.broadcast %add3A_352 : i32 to vector<16xi32>
        %add3A_354 = arith.addi %mul3A_325, %add3A_353 : vector<16xi32>
        %gather3A_355 = tpu.vector_load_idx %arg5[%add3A_354] : memref<64000xf32, #tpu.memory_space<vmem>>[vector<16xi32>], vector<16xf32>,
        %add3A_356 = arith.constant 256 : i32
        %add3A_357 = arith.addi %add3A_333, %add3A_356 : i32
        %swap3A_358 = arith.constant 0 : i32
        %swap3A_359 = arith.index_cast %swap3A_358 : i32 to index
        %swap3A_360 = arith.index_cast %add3A_357 : i32 to index
        %swap3A_361 = tpu.vector_load %arg7[%swap3A_359, %swap3A_360] {strides = array<i32>} : memref<2x8192xf32, #tpu.memory_space<vmem>>, vector<16xf32>,
        tpu.vector_store %arg7[%swap3A_359, %swap3A_360], %gather3A_355 {strides = array<i32>} : memref<2x8192xf32, #tpu.memory_space<vmem>>, vector<16xf32>,
        %add3A_362 = arith.constant 3 : i32
        %add3A_363 = vector.broadcast %add3A_362 : i32 to vector<16xi32>
        %add3A_364 = arith.addi %mul3A_325, %add3A_363 : vector<16xi32>
        %gather3A_365 = tpu.vector_load_idx %arg5[%add3A_364] : memref<64000xf32, #tpu.memory_space<vmem>>[vector<16xi32>], vector<16xf32>,
        %add3A_366 = arith.constant 384 : i32
        %add3A_367 = arith.addi %add3A_333, %add3A_366 : i32
        %swap3A_368 = arith.constant 0 : i32
        %swap3A_369 = arith.index_cast %swap3A_368 : i32 to index
        %swap3A_370 = arith.index_cast %add3A_367 : i32 to index
        %swap3A_371 = tpu.vector_load %arg7[%swap3A_369, %swap3A_370] {strides = array<i32>} : memref<2x8192xf32, #tpu.memory_space<vmem>>, vector<16xf32>,
        tpu.vector_store %arg7[%swap3A_369, %swap3A_370], %gather3A_365 {strides = array<i32>} : memref<2x8192xf32, #tpu.memory_space<vmem>>, vector<16xf32>,
        %add3A_372 = arith.constant 4 : i32
        %add3A_373 = vector.broadcast %add3A_372 : i32 to vector<16xi32>
        %add3A_374 = arith.addi %mul3A_325, %add3A_373 : vector<16xi32>
        %gather3A_375 = tpu.vector_load_idx %arg5[%add3A_374] : memref<64000xf32, #tpu.memory_space<vmem>>[vector<16xi32>], vector<16xf32>,
        %add3A_376 = arith.constant 512 : i32
        %add3A_377 = arith.addi %add3A_333, %add3A_376 : i32
        %swap3A_378 = arith.constant 0 : i32
        %swap3A_379 = arith.index_cast %swap3A_378 : i32 to index
        %swap3A_380 = arith.index_cast %add3A_377 : i32 to index
        %swap3A_381 = tpu.vector_load %arg7[%swap3A_379, %swap3A_380] {strides = array<i32>} : memref<2x8192xf32, #tpu.memory_space<vmem>>, vector<16xf32>,
        tpu.vector_store %arg7[%swap3A_379, %swap3A_380], %gather3A_375 {strides = array<i32>} : memref<2x8192xf32, #tpu.memory_space<vmem>>, vector<16xf32>,
        %add3A_382 = arith.constant 5 : i32
        %add3A_383 = vector.broadcast %add3A_382 : i32 to vector<16xi32>
        %add3A_384 = arith.addi %mul3A_325, %add3A_383 : vector<16xi32>
        %gather3A_385 = tpu.vector_load_idx %arg5[%add3A_384] : memref<64000xf32, #tpu.memory_space<vmem>>[vector<16xi32>], vector<16xf32>,
        %add3A_386 = arith.constant 640 : i32
        %add3A_387 = arith.addi %add3A_333, %add3A_386 : i32
        %swap3A_388 = arith.constant 0 : i32
        %swap3A_389 = arith.index_cast %swap3A_388 : i32 to index
        %swap3A_390 = arith.index_cast %add3A_387 : i32 to index
        %swap3A_391 = tpu.vector_load %arg7[%swap3A_389, %swap3A_390] {strides = array<i32>} : memref<2x8192xf32, #tpu.memory_space<vmem>>, vector<16xf32>,
        tpu.vector_store %arg7[%swap3A_389, %swap3A_390], %gather3A_385 {strides = array<i32>} : memref<2x8192xf32, #tpu.memory_space<vmem>>, vector<16xf32>,
        %add3A_392 = arith.constant 6 : i32
        %add3A_393 = vector.broadcast %add3A_392 : i32 to vector<16xi32>
        %add3A_394 = arith.addi %mul3A_325, %add3A_393 : vector<16xi32>
        %gather3A_395 = tpu.vector_load_idx %arg5[%add3A_394] : memref<64000xf32, #tpu.memory_space<vmem>>[vector<16xi32>], vector<16xf32>,
        %add3A_396 = arith.constant 768 : i32
        %add3A_397 = arith.addi %add3A_333, %add3A_396 : i32
        %swap3A_398 = arith.constant 0 : i32
        %swap3A_399 = arith.index_cast %swap3A_398 : i32 to index
        %swap3A_400 = arith.index_cast %add3A_397 : i32 to index
        %swap3A_401 = tpu.vector_load %arg7[%swap3A_399, %swap3A_400] {strides = array<i32>} : memref<2x8192xf32, #tpu.memory_space<vmem>>, vector<16xf32>,
        tpu.vector_store %arg7[%swap3A_399, %swap3A_400], %gather3A_395 {strides = array<i32>} : memref<2x8192xf32, #tpu.memory_space<vmem>>, vector<16xf32>,
        %add3A_402 = arith.constant 7 : i32
        %add3A_403 = vector.broadcast %add3A_402 : i32 to vector<16xi32>
        %add3A_404 = arith.addi %mul3A_325, %add3A_403 : vector<16xi32>
        %gather3A_405 = tpu.vector_load_idx %arg5[%add3A_404] : memref<64000xf32, #tpu.memory_space<vmem>>[vector<16xi32>], vector<16xf32>,
        %add3A_406 = arith.constant 896 : i32
        %add3A_407 = arith.addi %add3A_333, %add3A_406 : i32
        %swap3A_408 = arith.constant 0 : i32
        %swap3A_409 = arith.index_cast %swap3A_408 : i32 to index
        %swap3A_410 = arith.index_cast %add3A_407 : i32 to index
        %swap3A_411 = tpu.vector_load %arg7[%swap3A_409, %swap3A_410] {strides = array<i32>} : memref<2x8192xf32, #tpu.memory_space<vmem>>, vector<16xf32>,
        tpu.vector_store %arg7[%swap3A_409, %swap3A_410], %gather3A_405 {strides = array<i32>} : memref<2x8192xf32, #tpu.memory_space<vmem>>, vector<16xf32>,
      }
      %scan3A_80 = arith.constant 64 : i32
      %add3A_81 = arith.constant 0 : i32
      %add3A_82 = arith.addi %add3A_73, %add3A_81 : i32
      %dma_start3A = arith.constant 0 : i32
      %dma_start3A_83 = arith.constant 0 : i32
      %dma_start3A_84 = arith.constant 0 : i32
      %dma_start3A_85 = tpu.memref_slice %arg7[%dma_start3A, %dma_start3A_84] : memref<2x8192xf32, #tpu.memory_space<vmem>> -> memref<1x8192xf32, #tpu.memory_space<vmem>>
      %dma_start3A_86 = tpu.memref_squeeze %dma_start3A_85 : memref<1x8192xf32, #tpu.memory_space<vmem>> -> memref<8192xf32, #tpu.memory_space<vmem>>
      %dma_start3A_87 = tpu.memref_slice %arg4[%add3A_82] : memref<52428800xf32, #tpu.memory_space<hbm>> -> memref<8192xf32, #tpu.memory_space<hbm>>
      %dma_start3A_88 = tpu.memref_slice %arg8[%dma_start3A_83] : memref<2x!tpu.dma_semaphore, #tpu.memory_space<semaphore_mem>> -> memref<1x!tpu.dma_semaphore, #tpu.memory_space<semaphore_mem>>
      %dma_start3A_89 = tpu.memref_squeeze %dma_start3A_88 : memref<1x!tpu.dma_semaphore, #tpu.memory_space<semaphore_mem>> -> memref<!tpu.dma_semaphore, #tpu.memory_space<semaphore_mem>>
      %dma_start3A_90 = tpu.memref_slice %arg4[%add3A_82] : memref<52428800xf32, #tpu.memory_space<hbm>> -> memref<8192xf32, #tpu.memory_space<hbm>>
      %dma_start3A_91 = arith.constant 0 : i32
      %dma_start3A_92 = tpu.memref_slice %arg7[%dma_start3A, %dma_start3A_91] : memref<2x8192xf32, #tpu.memory_space<vmem>> -> memref<1x8192xf32, #tpu.memory_space<vmem>>
      %dma_start3A_93 = tpu.memref_squeeze %dma_start3A_92 : memref<1x8192xf32, #tpu.memory_space<vmem>> -> memref<8192xf32, #tpu.memory_space<vmem>>
      tpu.enqueue_dma source(%dma_start3A_93 : memref<8192xf32, #tpu.memory_space<vmem>>) target(%dma_start3A_90 : memref<8192xf32, #tpu.memory_space<hbm>>) target_semaphore(%dma_start3A_89 : memref<!tpu.dma_semaphore, #tpu.memory_space<semaphore_mem>>)
      %ge3A_94 = arith.constant 1 : i32
      %ge3A_95 = arith.cmpi sge, %scan3A_36, %ge3A_94 : i32
      %convert_element_type3A_96 = arith.extui %ge3A_95 : i1 to i32
      %cond3A_97 = arith.constant 0 : i32
      %cond3A_98 = arith.cmpi ne, %convert_element_type3A_96, %cond3A_97 : i32
      scf.if %cond3A_98 {
        %dma_wait3A_316 = arith.constant 1 : i32
        %dma_wait3A_317 = arith.constant 1 : i32
        %dma_wait3A_318 = arith.constant 0 : i32
        %dma_wait3A_319 = tpu.memref_slice %arg7[%dma_wait3A_316, %dma_wait3A_318] : memref<2x8192xf32, #tpu.memory_space<vmem>> -> memref<1x8192xf32, #tpu.memory_space<vmem>>
        %dma_wait3A_320 = tpu.memref_squeeze %dma_wait3A_319 : memref<1x8192xf32, #tpu.memory_space<vmem>> -> memref<8192xf32, #tpu.memory_space<vmem>>
        %dma_wait3A_321 = arith.constant 0 : i32
        %dma_wait3A_322 = tpu.memref_slice %arg4[%dma_wait3A_321] : memref<52428800xf32, #tpu.memory_space<hbm>> -> memref<8192xf32, #tpu.memory_space<hbm>>
        %dma_wait3A_323 = tpu.memref_slice %arg8[%dma_wait3A_317] : memref<2x!tpu.dma_semaphore, #tpu.memory_space<semaphore_mem>> -> memref<1x!tpu.dma_semaphore, #tpu.memory_space<semaphore_mem>>
        %dma_wait3A_324 = tpu.memref_squeeze %dma_wait3A_323 : memref<1x!tpu.dma_semaphore, #tpu.memory_space<semaphore_mem>> -> memref<!tpu.dma_semaphore, #tpu.memory_space<semaphore_mem>>
        %dma_wait3A_325 = arith.constant 0 : i32
        %dma_wait3A_326 = tpu.memref_slice %arg7[%dma_wait3A_316, %dma_wait3A_325] : memref<2x8192xf32, #tpu.memory_space<vmem>> -> memref<1x8192xf32, #tpu.memory_space<vmem>>
        %dma_wait3A_327 = tpu.memref_squeeze %dma_wait3A_326 : memref<1x8192xf32, #tpu.memory_space<vmem>> -> memref<8192xf32, #tpu.memory_space<vmem>>
        %dma_wait3A_328 = arith.constant 0 : i32
        %dma_wait3A_329 = tpu.memref_slice %arg4[%dma_wait3A_328] : memref<52428800xf32, #tpu.memory_space<hbm>> -> memref<8192xf32, #tpu.memory_space<hbm>>
        tpu.wait_dma2 semaphore(%dma_wait3A_324 : memref<!tpu.dma_semaphore, #tpu.memory_space<semaphore_mem>>) src(%dma_wait3A_329 : memref<8192xf32, #tpu.memory_space<hbm>>) dst(%dma_wait3A_327 : memref<8192xf32, #tpu.memory_space<vmem>>)
      } else {
      }
      %scan3A_99 = arith.constant 0 : i32
      %scan3A_100 = arith.constant 64 : i32
      %scan3A_101 = arith.addi %scan3A_99, %scan3A_100 : i32
      %scan3A_102 = arith.constant 1 : i32
      scf.for %scan3A_316 = %scan3A_99 to %scan3A_101 step %scan3A_102  : i32 {
        %mul3A_317 = arith.constant 1024 : i32
        %mul3A_318 = arith.muli %scan3A_36, %mul3A_317 : i32
        %mul3A_319 = arith.constant 16 : i32
        %mul3A_320 = arith.muli %scan3A_316, %mul3A_319 : i32
        %add3A_321 = arith.addi %mul3A_318, %mul3A_320 : i32
        %get3A = arith.index_cast %add3A_321 : i32 to index
        %get3A_322 = tpu.vector_load %arg6[%get3A] {strides = array<i32>} : memref<25600xi32, #tpu.memory_space<vmem>>, vector<16xi32>,
        %mul3A_323 = arith.constant 64 : i32
        %mul3A_324 = vector.broadcast %mul3A_323 : i32 to vector<16xi32>
        %mul3A_325 = arith.muli %get3A_322, %mul3A_324 : vector<16xi32>
        %shift_right_logical3A = arith.constant 3 : i32
        %shift_right_logical3A_326 = arith.shrui %scan3A_316, %shift_right_logical3A : i32
        %mul3A_327 = arith.constant 1024 : i32
        %mul3A_328 = arith.muli %shift_right_logical3A_326, %mul3A_327 : i32
        %and3A_329 = arith.constant 7 : i32
        %and3A_330 = arith.andi %scan3A_316, %and3A_329 : i32
        %mul3A_331 = arith.constant 16 : i32
        %mul3A_332 = arith.muli %and3A_330, %mul3A_331 : i32
        %add3A_333 = arith.addi %mul3A_328, %mul3A_332 : i32
        %add3A_334 = arith.constant 8 : i32
        %add3A_335 = vector.broadcast %add3A_334 : i32 to vector<16xi32>
        %add3A_336 = arith.addi %mul3A_325, %add3A_335 : vector<16xi32>
        %gather3A = tpu.vector_load_idx %arg5[%add3A_336] : memref<64000xf32, #tpu.memory_space<vmem>>[vector<16xi32>], vector<16xf32>,
        %add3A_337 = arith.constant 0 : i32
        %add3A_338 = arith.addi %add3A_333, %add3A_337 : i32
        %swap3A = arith.constant 1 : i32
        %swap3A_339 = arith.index_cast %swap3A : i32 to index
        %swap3A_340 = arith.index_cast %add3A_338 : i32 to index
        %swap3A_341 = tpu.vector_load %arg7[%swap3A_339, %swap3A_340] {strides = array<i32>} : memref<2x8192xf32, #tpu.memory_space<vmem>>, vector<16xf32>,
        tpu.vector_store %arg7[%swap3A_339, %swap3A_340], %gather3A {strides = array<i32>} : memref<2x8192xf32, #tpu.memory_space<vmem>>, vector<16xf32>,
        %add3A_342 = arith.constant 9 : i32
        %add3A_343 = vector.broadcast %add3A_342 : i32 to vector<16xi32>
        %add3A_344 = arith.addi %mul3A_325, %add3A_343 : vector<16xi32>
        %gather3A_345 = tpu.vector_load_idx %arg5[%add3A_344] : memref<64000xf32, #tpu.memory_space<vmem>>[vector<16xi32>], vector<16xf32>,
        %add3A_346 = arith.constant 128 : i32
        %add3A_347 = arith.addi %add3A_333, %add3A_346 : i32
        %swap3A_348 = arith.constant 1 : i32
        %swap3A_349 = arith.index_cast %swap3A_348 : i32 to index
        %swap3A_350 = arith.index_cast %add3A_347 : i32 to index
        %swap3A_351 = tpu.vector_load %arg7[%swap3A_349, %swap3A_350] {strides = array<i32>} : memref<2x8192xf32, #tpu.memory_space<vmem>>, vector<16xf32>,
        tpu.vector_store %arg7[%swap3A_349, %swap3A_350], %gather3A_345 {strides = array<i32>} : memref<2x8192xf32, #tpu.memory_space<vmem>>, vector<16xf32>,
        %add3A_352 = arith.constant 10 : i32
        %add3A_353 = vector.broadcast %add3A_352 : i32 to vector<16xi32>
        %add3A_354 = arith.addi %mul3A_325, %add3A_353 : vector<16xi32>
        %gather3A_355 = tpu.vector_load_idx %arg5[%add3A_354] : memref<64000xf32, #tpu.memory_space<vmem>>[vector<16xi32>], vector<16xf32>,
        %add3A_356 = arith.constant 256 : i32
        %add3A_357 = arith.addi %add3A_333, %add3A_356 : i32
        %swap3A_358 = arith.constant 1 : i32
        %swap3A_359 = arith.index_cast %swap3A_358 : i32 to index
        %swap3A_360 = arith.index_cast %add3A_357 : i32 to index
        %swap3A_361 = tpu.vector_load %arg7[%swap3A_359, %swap3A_360] {strides = array<i32>} : memref<2x8192xf32, #tpu.memory_space<vmem>>, vector<16xf32>,
        tpu.vector_store %arg7[%swap3A_359, %swap3A_360], %gather3A_355 {strides = array<i32>} : memref<2x8192xf32, #tpu.memory_space<vmem>>, vector<16xf32>,
        %add3A_362 = arith.constant 11 : i32
        %add3A_363 = vector.broadcast %add3A_362 : i32 to vector<16xi32>
        %add3A_364 = arith.addi %mul3A_325, %add3A_363 : vector<16xi32>
        %gather3A_365 = tpu.vector_load_idx %arg5[%add3A_364] : memref<64000xf32, #tpu.memory_space<vmem>>[vector<16xi32>], vector<16xf32>,
        %add3A_366 = arith.constant 384 : i32
        %add3A_367 = arith.addi %add3A_333, %add3A_366 : i32
        %swap3A_368 = arith.constant 1 : i32
        %swap3A_369 = arith.index_cast %swap3A_368 : i32 to index
        %swap3A_370 = arith.index_cast %add3A_367 : i32 to index
        %swap3A_371 = tpu.vector_load %arg7[%swap3A_369, %swap3A_370] {strides = array<i32>} : memref<2x8192xf32, #tpu.memory_space<vmem>>, vector<16xf32>,
        tpu.vector_store %arg7[%swap3A_369, %swap3A_370], %gather3A_365 {strides = array<i32>} : memref<2x8192xf32, #tpu.memory_space<vmem>>, vector<16xf32>,
        %add3A_372 = arith.constant 12 : i32
        %add3A_373 = vector.broadcast %add3A_372 : i32 to vector<16xi32>
        %add3A_374 = arith.addi %mul3A_325, %add3A_373 : vector<16xi32>
        %gather3A_375 = tpu.vector_load_idx %arg5[%add3A_374] : memref<64000xf32, #tpu.memory_space<vmem>>[vector<16xi32>], vector<16xf32>,
        %add3A_376 = arith.constant 512 : i32
        %add3A_377 = arith.addi %add3A_333, %add3A_376 : i32
        %swap3A_378 = arith.constant 1 : i32
        %swap3A_379 = arith.index_cast %swap3A_378 : i32 to index
        %swap3A_380 = arith.index_cast %add3A_377 : i32 to index
        %swap3A_381 = tpu.vector_load %arg7[%swap3A_379, %swap3A_380] {strides = array<i32>} : memref<2x8192xf32, #tpu.memory_space<vmem>>, vector<16xf32>,
        tpu.vector_store %arg7[%swap3A_379, %swap3A_380], %gather3A_375 {strides = array<i32>} : memref<2x8192xf32, #tpu.memory_space<vmem>>, vector<16xf32>,
        %add3A_382 = arith.constant 13 : i32
        %add3A_383 = vector.broadcast %add3A_382 : i32 to vector<16xi32>
        %add3A_384 = arith.addi %mul3A_325, %add3A_383 : vector<16xi32>
        %gather3A_385 = tpu.vector_load_idx %arg5[%add3A_384] : memref<64000xf32, #tpu.memory_space<vmem>>[vector<16xi32>], vector<16xf32>,
        %add3A_386 = arith.constant 640 : i32
        %add3A_387 = arith.addi %add3A_333, %add3A_386 : i32
        %swap3A_388 = arith.constant 1 : i32
        %swap3A_389 = arith.index_cast %swap3A_388 : i32 to index
        %swap3A_390 = arith.index_cast %add3A_387 : i32 to index
        %swap3A_391 = tpu.vector_load %arg7[%swap3A_389, %swap3A_390] {strides = array<i32>} : memref<2x8192xf32, #tpu.memory_space<vmem>>, vector<16xf32>,
        tpu.vector_store %arg7[%swap3A_389, %swap3A_390], %gather3A_385 {strides = array<i32>} : memref<2x8192xf32, #tpu.memory_space<vmem>>, vector<16xf32>,
        %add3A_392 = arith.constant 14 : i32
        %add3A_393 = vector.broadcast %add3A_392 : i32 to vector<16xi32>
        %add3A_394 = arith.addi %mul3A_325, %add3A_393 : vector<16xi32>
        %gather3A_395 = tpu.vector_load_idx %arg5[%add3A_394] : memref<64000xf32, #tpu.memory_space<vmem>>[vector<16xi32>], vector<16xf32>,
        %add3A_396 = arith.constant 768 : i32
        %add3A_397 = arith.addi %add3A_333, %add3A_396 : i32
        %swap3A_398 = arith.constant 1 : i32
        %swap3A_399 = arith.index_cast %swap3A_398 : i32 to index
        %swap3A_400 = arith.index_cast %add3A_397 : i32 to index
        %swap3A_401 = tpu.vector_load %arg7[%swap3A_399, %swap3A_400] {strides = array<i32>} : memref<2x8192xf32, #tpu.memory_space<vmem>>, vector<16xf32>,
        tpu.vector_store %arg7[%swap3A_399, %swap3A_400], %gather3A_395 {strides = array<i32>} : memref<2x8192xf32, #tpu.memory_space<vmem>>, vector<16xf32>,
        %add3A_402 = arith.constant 15 : i32
        %add3A_403 = vector.broadcast %add3A_402 : i32 to vector<16xi32>
        %add3A_404 = arith.addi %mul3A_325, %add3A_403 : vector<16xi32>
        %gather3A_405 = tpu.vector_load_idx %arg5[%add3A_404] : memref<64000xf32, #tpu.memory_space<vmem>>[vector<16xi32>], vector<16xf32>,
        %add3A_406 = arith.constant 896 : i32
        %add3A_407 = arith.addi %add3A_333, %add3A_406 : i32
        %swap3A_408 = arith.constant 1 : i32
        %swap3A_409 = arith.index_cast %swap3A_408 : i32 to index
        %swap3A_410 = arith.index_cast %add3A_407 : i32 to index
        %swap3A_411 = tpu.vector_load %arg7[%swap3A_409, %swap3A_410] {strides = array<i32>} : memref<2x8192xf32, #tpu.memory_space<vmem>>, vector<16xf32>,
        tpu.vector_store %arg7[%swap3A_409, %swap3A_410], %gather3A_405 {strides = array<i32>} : memref<2x8192xf32, #tpu.memory_space<vmem>>, vector<16xf32>,
      }
      %scan3A_103 = arith.constant 64 : i32
      %add3A_104 = arith.constant 32768 : i32
      %add3A_105 = arith.addi %add3A_73, %add3A_104 : i32
      %dma_start3A_106 = arith.constant 1 : i32
      %dma_start3A_107 = arith.constant 1 : i32
      %dma_start3A_108 = arith.constant 0 : i32
      %dma_start3A_109 = tpu.memref_slice %arg7[%dma_start3A_106, %dma_start3A_108] : memref<2x8192xf32, #tpu.memory_space<vmem>> -> memref<1x8192xf32, #tpu.memory_space<vmem>>
      %dma_start3A_110 = tpu.memref_squeeze %dma_start3A_109 : memref<1x8192xf32, #tpu.memory_space<vmem>> -> memref<8192xf32, #tpu.memory_space<vmem>>
      %dma_start3A_111 = tpu.memref_slice %arg4[%add3A_105] : memref<52428800xf32, #tpu.memory_space<hbm>> -> memref<8192xf32, #tpu.memory_space<hbm>>
      %dma_start3A_112 = tpu.memref_slice %arg8[%dma_start3A_107] : memref<2x!tpu.dma_semaphore, #tpu.memory_space<semaphore_mem>> -> memref<1x!tpu.dma_semaphore, #tpu.memory_space<semaphore_mem>>
      %dma_start3A_113 = tpu.memref_squeeze %dma_start3A_112 : memref<1x!tpu.dma_semaphore, #tpu.memory_space<semaphore_mem>> -> memref<!tpu.dma_semaphore, #tpu.memory_space<semaphore_mem>>
      %dma_start3A_114 = tpu.memref_slice %arg4[%add3A_105] : memref<52428800xf32, #tpu.memory_space<hbm>> -> memref<8192xf32, #tpu.memory_space<hbm>>
      %dma_start3A_115 = arith.constant 0 : i32
      %dma_start3A_116 = tpu.memref_slice %arg7[%dma_start3A_106, %dma_start3A_115] : memref<2x8192xf32, #tpu.memory_space<vmem>> -> memref<1x8192xf32, #tpu.memory_space<vmem>>
      %dma_start3A_117 = tpu.memref_squeeze %dma_start3A_116 : memref<1x8192xf32, #tpu.memory_space<vmem>> -> memref<8192xf32, #tpu.memory_space<vmem>>
      tpu.enqueue_dma source(%dma_start3A_117 : memref<8192xf32, #tpu.memory_space<vmem>>) target(%dma_start3A_114 : memref<8192xf32, #tpu.memory_space<hbm>>) target_semaphore(%dma_start3A_113 : memref<!tpu.dma_semaphore, #tpu.memory_space<semaphore_mem>>)
      %dma_wait3A_118 = arith.constant 0 : i32
      %dma_wait3A_119 = arith.constant 0 : i32
      %dma_wait3A_120 = arith.constant 0 : i32
      %dma_wait3A_121 = tpu.memref_slice %arg7[%dma_wait3A_118, %dma_wait3A_120] : memref<2x8192xf32, #tpu.memory_space<vmem>> -> memref<1x8192xf32, #tpu.memory_space<vmem>>
      %dma_wait3A_122 = tpu.memref_squeeze %dma_wait3A_121 : memref<1x8192xf32, #tpu.memory_space<vmem>> -> memref<8192xf32, #tpu.memory_space<vmem>>
      %dma_wait3A_123 = arith.constant 0 : i32
      %dma_wait3A_124 = tpu.memref_slice %arg4[%dma_wait3A_123] : memref<52428800xf32, #tpu.memory_space<hbm>> -> memref<8192xf32, #tpu.memory_space<hbm>>
      %dma_wait3A_125 = tpu.memref_slice %arg8[%dma_wait3A_119] : memref<2x!tpu.dma_semaphore, #tpu.memory_space<semaphore_mem>> -> memref<1x!tpu.dma_semaphore, #tpu.memory_space<semaphore_mem>>
      %dma_wait3A_126 = tpu.memref_squeeze %dma_wait3A_125 : memref<1x!tpu.dma_semaphore, #tpu.memory_space<semaphore_mem>> -> memref<!tpu.dma_semaphore, #tpu.memory_space<semaphore_mem>>
      %dma_wait3A_127 = arith.constant 0 : i32
      %dma_wait3A_128 = tpu.memref_slice %arg7[%dma_wait3A_118, %dma_wait3A_127] : memref<2x8192xf32, #tpu.memory_space<vmem>> -> memref<1x8192xf32, #tpu.memory_space<vmem>>
      %dma_wait3A_129 = tpu.memref_squeeze %dma_wait3A_128 : memref<1x8192xf32, #tpu.memory_space<vmem>> -> memref<8192xf32, #tpu.memory_space<vmem>>
      %dma_wait3A_130 = arith.constant 0 : i32
      %dma_wait3A_131 = tpu.memref_slice %arg4[%dma_wait3A_130] : memref<52428800xf32, #tpu.memory_space<hbm>> -> memref<8192xf32, #tpu.memory_space<hbm>>
      tpu.wait_dma2 semaphore(%dma_wait3A_126 : memref<!tpu.dma_semaphore, #tpu.memory_space<semaphore_mem>>) src(%dma_wait3A_131 : memref<8192xf32, #tpu.memory_space<hbm>>) dst(%dma_wait3A_129 : memref<8192xf32, #tpu.memory_space<vmem>>)
      %scan3A_132 = arith.constant 0 : i32
      %scan3A_133 = arith.constant 64 : i32
      %scan3A_134 = arith.addi %scan3A_132, %scan3A_133 : i32
      %scan3A_135 = arith.constant 1 : i32
      scf.for %scan3A_316 = %scan3A_132 to %scan3A_134 step %scan3A_135  : i32 {
        %mul3A_317 = arith.constant 1024 : i32
        %mul3A_318 = arith.muli %scan3A_36, %mul3A_317 : i32
        %mul3A_319 = arith.constant 16 : i32
        %mul3A_320 = arith.muli %scan3A_316, %mul3A_319 : i32
        %add3A_321 = arith.addi %mul3A_318, %mul3A_320 : i32
        %get3A = arith.index_cast %add3A_321 : i32 to index
        %get3A_322 = tpu.vector_load %arg6[%get3A] {strides = array<i32>} : memref<25600xi32, #tpu.memory_space<vmem>>, vector<16xi32>,
        %mul3A_323 = arith.constant 64 : i32
        %mul3A_324 = vector.broadcast %mul3A_323 : i32 to vector<16xi32>
        %mul3A_325 = arith.muli %get3A_322, %mul3A_324 : vector<16xi32>
        %shift_right_logical3A = arith.constant 3 : i32
        %shift_right_logical3A_326 = arith.shrui %scan3A_316, %shift_right_logical3A : i32
        %mul3A_327 = arith.constant 1024 : i32
        %mul3A_328 = arith.muli %shift_right_logical3A_326, %mul3A_327 : i32
        %and3A_329 = arith.constant 7 : i32
        %and3A_330 = arith.andi %scan3A_316, %and3A_329 : i32
        %mul3A_331 = arith.constant 16 : i32
        %mul3A_332 = arith.muli %and3A_330, %mul3A_331 : i32
        %add3A_333 = arith.addi %mul3A_328, %mul3A_332 : i32
        %add3A_334 = arith.constant 16 : i32
        %add3A_335 = vector.broadcast %add3A_334 : i32 to vector<16xi32>
        %add3A_336 = arith.addi %mul3A_325, %add3A_335 : vector<16xi32>
        %gather3A = tpu.vector_load_idx %arg5[%add3A_336] : memref<64000xf32, #tpu.memory_space<vmem>>[vector<16xi32>], vector<16xf32>,
        %add3A_337 = arith.constant 0 : i32
        %add3A_338 = arith.addi %add3A_333, %add3A_337 : i32
        %swap3A = arith.constant 0 : i32
        %swap3A_339 = arith.index_cast %swap3A : i32 to index
        %swap3A_340 = arith.index_cast %add3A_338 : i32 to index
        %swap3A_341 = tpu.vector_load %arg7[%swap3A_339, %swap3A_340] {strides = array<i32>} : memref<2x8192xf32, #tpu.memory_space<vmem>>, vector<16xf32>,
        tpu.vector_store %arg7[%swap3A_339, %swap3A_340], %gather3A {strides = array<i32>} : memref<2x8192xf32, #tpu.memory_space<vmem>>, vector<16xf32>,
        %add3A_342 = arith.constant 17 : i32
        %add3A_343 = vector.broadcast %add3A_342 : i32 to vector<16xi32>
        %add3A_344 = arith.addi %mul3A_325, %add3A_343 : vector<16xi32>
        %gather3A_345 = tpu.vector_load_idx %arg5[%add3A_344] : memref<64000xf32, #tpu.memory_space<vmem>>[vector<16xi32>], vector<16xf32>,
        %add3A_346 = arith.constant 128 : i32
        %add3A_347 = arith.addi %add3A_333, %add3A_346 : i32
        %swap3A_348 = arith.constant 0 : i32
        %swap3A_349 = arith.index_cast %swap3A_348 : i32 to index
        %swap3A_350 = arith.index_cast %add3A_347 : i32 to index
        %swap3A_351 = tpu.vector_load %arg7[%swap3A_349, %swap3A_350] {strides = array<i32>} : memref<2x8192xf32, #tpu.memory_space<vmem>>, vector<16xf32>,
        tpu.vector_store %arg7[%swap3A_349, %swap3A_350], %gather3A_345 {strides = array<i32>} : memref<2x8192xf32, #tpu.memory_space<vmem>>, vector<16xf32>,
        %add3A_352 = arith.constant 18 : i32
        %add3A_353 = vector.broadcast %add3A_352 : i32 to vector<16xi32>
        %add3A_354 = arith.addi %mul3A_325, %add3A_353 : vector<16xi32>
        %gather3A_355 = tpu.vector_load_idx %arg5[%add3A_354] : memref<64000xf32, #tpu.memory_space<vmem>>[vector<16xi32>], vector<16xf32>,
        %add3A_356 = arith.constant 256 : i32
        %add3A_357 = arith.addi %add3A_333, %add3A_356 : i32
        %swap3A_358 = arith.constant 0 : i32
        %swap3A_359 = arith.index_cast %swap3A_358 : i32 to index
        %swap3A_360 = arith.index_cast %add3A_357 : i32 to index
        %swap3A_361 = tpu.vector_load %arg7[%swap3A_359, %swap3A_360] {strides = array<i32>} : memref<2x8192xf32, #tpu.memory_space<vmem>>, vector<16xf32>,
        tpu.vector_store %arg7[%swap3A_359, %swap3A_360], %gather3A_355 {strides = array<i32>} : memref<2x8192xf32, #tpu.memory_space<vmem>>, vector<16xf32>,
        %add3A_362 = arith.constant 19 : i32
        %add3A_363 = vector.broadcast %add3A_362 : i32 to vector<16xi32>
        %add3A_364 = arith.addi %mul3A_325, %add3A_363 : vector<16xi32>
        %gather3A_365 = tpu.vector_load_idx %arg5[%add3A_364] : memref<64000xf32, #tpu.memory_space<vmem>>[vector<16xi32>], vector<16xf32>,
        %add3A_366 = arith.constant 384 : i32
        %add3A_367 = arith.addi %add3A_333, %add3A_366 : i32
        %swap3A_368 = arith.constant 0 : i32
        %swap3A_369 = arith.index_cast %swap3A_368 : i32 to index
        %swap3A_370 = arith.index_cast %add3A_367 : i32 to index
        %swap3A_371 = tpu.vector_load %arg7[%swap3A_369, %swap3A_370] {strides = array<i32>} : memref<2x8192xf32, #tpu.memory_space<vmem>>, vector<16xf32>,
        tpu.vector_store %arg7[%swap3A_369, %swap3A_370], %gather3A_365 {strides = array<i32>} : memref<2x8192xf32, #tpu.memory_space<vmem>>, vector<16xf32>,
        %add3A_372 = arith.constant 20 : i32
        %add3A_373 = vector.broadcast %add3A_372 : i32 to vector<16xi32>
        %add3A_374 = arith.addi %mul3A_325, %add3A_373 : vector<16xi32>
        %gather3A_375 = tpu.vector_load_idx %arg5[%add3A_374] : memref<64000xf32, #tpu.memory_space<vmem>>[vector<16xi32>], vector<16xf32>,
        %add3A_376 = arith.constant 512 : i32
        %add3A_377 = arith.addi %add3A_333, %add3A_376 : i32
        %swap3A_378 = arith.constant 0 : i32
        %swap3A_379 = arith.index_cast %swap3A_378 : i32 to index
        %swap3A_380 = arith.index_cast %add3A_377 : i32 to index
        %swap3A_381 = tpu.vector_load %arg7[%swap3A_379, %swap3A_380] {strides = array<i32>} : memref<2x8192xf32, #tpu.memory_space<vmem>>, vector<16xf32>,
        tpu.vector_store %arg7[%swap3A_379, %swap3A_380], %gather3A_375 {strides = array<i32>} : memref<2x8192xf32, #tpu.memory_space<vmem>>, vector<16xf32>,
        %add3A_382 = arith.constant 21 : i32
        %add3A_383 = vector.broadcast %add3A_382 : i32 to vector<16xi32>
        %add3A_384 = arith.addi %mul3A_325, %add3A_383 : vector<16xi32>
        %gather3A_385 = tpu.vector_load_idx %arg5[%add3A_384] : memref<64000xf32, #tpu.memory_space<vmem>>[vector<16xi32>], vector<16xf32>,
        %add3A_386 = arith.constant 640 : i32
        %add3A_387 = arith.addi %add3A_333, %add3A_386 : i32
        %swap3A_388 = arith.constant 0 : i32
        %swap3A_389 = arith.index_cast %swap3A_388 : i32 to index
        %swap3A_390 = arith.index_cast %add3A_387 : i32 to index
        %swap3A_391 = tpu.vector_load %arg7[%swap3A_389, %swap3A_390] {strides = array<i32>} : memref<2x8192xf32, #tpu.memory_space<vmem>>, vector<16xf32>,
        tpu.vector_store %arg7[%swap3A_389, %swap3A_390], %gather3A_385 {strides = array<i32>} : memref<2x8192xf32, #tpu.memory_space<vmem>>, vector<16xf32>,
        %add3A_392 = arith.constant 22 : i32
        %add3A_393 = vector.broadcast %add3A_392 : i32 to vector<16xi32>
        %add3A_394 = arith.addi %mul3A_325, %add3A_393 : vector<16xi32>
        %gather3A_395 = tpu.vector_load_idx %arg5[%add3A_394] : memref<64000xf32, #tpu.memory_space<vmem>>[vector<16xi32>], vector<16xf32>,
        %add3A_396 = arith.constant 768 : i32
        %add3A_397 = arith.addi %add3A_333, %add3A_396 : i32
        %swap3A_398 = arith.constant 0 : i32
        %swap3A_399 = arith.index_cast %swap3A_398 : i32 to index
        %swap3A_400 = arith.index_cast %add3A_397 : i32 to index
        %swap3A_401 = tpu.vector_load %arg7[%swap3A_399, %swap3A_400] {strides = array<i32>} : memref<2x8192xf32, #tpu.memory_space<vmem>>, vector<16xf32>,
        tpu.vector_store %arg7[%swap3A_399, %swap3A_400], %gather3A_395 {strides = array<i32>} : memref<2x8192xf32, #tpu.memory_space<vmem>>, vector<16xf32>,
        %add3A_402 = arith.constant 23 : i32
        %add3A_403 = vector.broadcast %add3A_402 : i32 to vector<16xi32>
        %add3A_404 = arith.addi %mul3A_325, %add3A_403 : vector<16xi32>
        %gather3A_405 = tpu.vector_load_idx %arg5[%add3A_404] : memref<64000xf32, #tpu.memory_space<vmem>>[vector<16xi32>], vector<16xf32>,
        %add3A_406 = arith.constant 896 : i32
        %add3A_407 = arith.addi %add3A_333, %add3A_406 : i32
        %swap3A_408 = arith.constant 0 : i32
        %swap3A_409 = arith.index_cast %swap3A_408 : i32 to index
        %swap3A_410 = arith.index_cast %add3A_407 : i32 to index
        %swap3A_411 = tpu.vector_load %arg7[%swap3A_409, %swap3A_410] {strides = array<i32>} : memref<2x8192xf32, #tpu.memory_space<vmem>>, vector<16xf32>,
        tpu.vector_store %arg7[%swap3A_409, %swap3A_410], %gather3A_405 {strides = array<i32>} : memref<2x8192xf32, #tpu.memory_space<vmem>>, vector<16xf32>,
      }
      %scan3A_136 = arith.constant 64 : i32
      %add3A_137 = arith.constant 65536 : i32
      %add3A_138 = arith.addi %add3A_73, %add3A_137 : i32
      %dma_start3A_139 = arith.constant 0 : i32
      %dma_start3A_140 = arith.constant 0 : i32
      %dma_start3A_141 = arith.constant 0 : i32
      %dma_start3A_142 = tpu.memref_slice %arg7[%dma_start3A_139, %dma_start3A_141] : memref<2x8192xf32, #tpu.memory_space<vmem>> -> memref<1x8192xf32, #tpu.memory_space<vmem>>
      %dma_start3A_143 = tpu.memref_squeeze %dma_start3A_142 : memref<1x8192xf32, #tpu.memory_space<vmem>> -> memref<8192xf32, #tpu.memory_space<vmem>>
      %dma_start3A_144 = tpu.memref_slice %arg4[%add3A_138] : memref<52428800xf32, #tpu.memory_space<hbm>> -> memref<8192xf32, #tpu.memory_space<hbm>>
      %dma_start3A_145 = tpu.memref_slice %arg8[%dma_start3A_140] : memref<2x!tpu.dma_semaphore, #tpu.memory_space<semaphore_mem>> -> memref<1x!tpu.dma_semaphore, #tpu.memory_space<semaphore_mem>>
      %dma_start3A_146 = tpu.memref_squeeze %dma_start3A_145 : memref<1x!tpu.dma_semaphore, #tpu.memory_space<semaphore_mem>> -> memref<!tpu.dma_semaphore, #tpu.memory_space<semaphore_mem>>
      %dma_start3A_147 = tpu.memref_slice %arg4[%add3A_138] : memref<52428800xf32, #tpu.memory_space<hbm>> -> memref<8192xf32, #tpu.memory_space<hbm>>
      %dma_start3A_148 = arith.constant 0 : i32
      %dma_start3A_149 = tpu.memref_slice %arg7[%dma_start3A_139, %dma_start3A_148] : memref<2x8192xf32, #tpu.memory_space<vmem>> -> memref<1x8192xf32, #tpu.memory_space<vmem>>
      %dma_start3A_150 = tpu.memref_squeeze %dma_start3A_149 : memref<1x8192xf32, #tpu.memory_space<vmem>> -> memref<8192xf32, #tpu.memory_space<vmem>>
      tpu.enqueue_dma source(%dma_start3A_150 : memref<8192xf32, #tpu.memory_space<vmem>>) target(%dma_start3A_147 : memref<8192xf32, #tpu.memory_space<hbm>>) target_semaphore(%dma_start3A_146 : memref<!tpu.dma_semaphore, #tpu.memory_space<semaphore_mem>>)
      %dma_wait3A_151 = arith.constant 1 : i32
      %dma_wait3A_152 = arith.constant 1 : i32
      %dma_wait3A_153 = arith.constant 0 : i32
      %dma_wait3A_154 = tpu.memref_slice %arg7[%dma_wait3A_151, %dma_wait3A_153] : memref<2x8192xf32, #tpu.memory_space<vmem>> -> memref<1x8192xf32, #tpu.memory_space<vmem>>
      %dma_wait3A_155 = tpu.memref_squeeze %dma_wait3A_154 : memref<1x8192xf32, #tpu.memory_space<vmem>> -> memref<8192xf32, #tpu.memory_space<vmem>>
      %dma_wait3A_156 = arith.constant 0 : i32
      %dma_wait3A_157 = tpu.memref_slice %arg4[%dma_wait3A_156] : memref<52428800xf32, #tpu.memory_space<hbm>> -> memref<8192xf32, #tpu.memory_space<hbm>>
      %dma_wait3A_158 = tpu.memref_slice %arg8[%dma_wait3A_152] : memref<2x!tpu.dma_semaphore, #tpu.memory_space<semaphore_mem>> -> memref<1x!tpu.dma_semaphore, #tpu.memory_space<semaphore_mem>>
      %dma_wait3A_159 = tpu.memref_squeeze %dma_wait3A_158 : memref<1x!tpu.dma_semaphore, #tpu.memory_space<semaphore_mem>> -> memref<!tpu.dma_semaphore, #tpu.memory_space<semaphore_mem>>
      %dma_wait3A_160 = arith.constant 0 : i32
      %dma_wait3A_161 = tpu.memref_slice %arg7[%dma_wait3A_151, %dma_wait3A_160] : memref<2x8192xf32, #tpu.memory_space<vmem>> -> memref<1x8192xf32, #tpu.memory_space<vmem>>
      %dma_wait3A_162 = tpu.memref_squeeze %dma_wait3A_161 : memref<1x8192xf32, #tpu.memory_space<vmem>> -> memref<8192xf32, #tpu.memory_space<vmem>>
      %dma_wait3A_163 = arith.constant 0 : i32
      %dma_wait3A_164 = tpu.memref_slice %arg4[%dma_wait3A_163] : memref<52428800xf32, #tpu.memory_space<hbm>> -> memref<8192xf32, #tpu.memory_space<hbm>>
      tpu.wait_dma2 semaphore(%dma_wait3A_159 : memref<!tpu.dma_semaphore, #tpu.memory_space<semaphore_mem>>) src(%dma_wait3A_164 : memref<8192xf32, #tpu.memory_space<hbm>>) dst(%dma_wait3A_162 : memref<8192xf32, #tpu.memory_space<vmem>>)
      %scan3A_165 = arith.constant 0 : i32
      %scan3A_166 = arith.constant 64 : i32
      %scan3A_167 = arith.addi %scan3A_165, %scan3A_166 : i32
      %scan3A_168 = arith.constant 1 : i32
      scf.for %scan3A_316 = %scan3A_165 to %scan3A_167 step %scan3A_168  : i32 {
        %mul3A_317 = arith.constant 1024 : i32
        %mul3A_318 = arith.muli %scan3A_36, %mul3A_317 : i32
        %mul3A_319 = arith.constant 16 : i32
        %mul3A_320 = arith.muli %scan3A_316, %mul3A_319 : i32
        %add3A_321 = arith.addi %mul3A_318, %mul3A_320 : i32
        %get3A = arith.index_cast %add3A_321 : i32 to index
        %get3A_322 = tpu.vector_load %arg6[%get3A] {strides = array<i32>} : memref<25600xi32, #tpu.memory_space<vmem>>, vector<16xi32>,
        %mul3A_323 = arith.constant 64 : i32
        %mul3A_324 = vector.broadcast %mul3A_323 : i32 to vector<16xi32>
        %mul3A_325 = arith.muli %get3A_322, %mul3A_324 : vector<16xi32>
        %shift_right_logical3A = arith.constant 3 : i32
        %shift_right_logical3A_326 = arith.shrui %scan3A_316, %shift_right_logical3A : i32
        %mul3A_327 = arith.constant 1024 : i32
        %mul3A_328 = arith.muli %shift_right_logical3A_326, %mul3A_327 : i32
        %and3A_329 = arith.constant 7 : i32
        %and3A_330 = arith.andi %scan3A_316, %and3A_329 : i32
        %mul3A_331 = arith.constant 16 : i32
        %mul3A_332 = arith.muli %and3A_330, %mul3A_331 : i32
        %add3A_333 = arith.addi %mul3A_328, %mul3A_332 : i32
        %add3A_334 = arith.constant 24 : i32
        %add3A_335 = vector.broadcast %add3A_334 : i32 to vector<16xi32>
        %add3A_336 = arith.addi %mul3A_325, %add3A_335 : vector<16xi32>
        %gather3A = tpu.vector_load_idx %arg5[%add3A_336] : memref<64000xf32, #tpu.memory_space<vmem>>[vector<16xi32>], vector<16xf32>,
        %add3A_337 = arith.constant 0 : i32
        %add3A_338 = arith.addi %add3A_333, %add3A_337 : i32
        %swap3A = arith.constant 1 : i32
        %swap3A_339 = arith.index_cast %swap3A : i32 to index
        %swap3A_340 = arith.index_cast %add3A_338 : i32 to index
        %swap3A_341 = tpu.vector_load %arg7[%swap3A_339, %swap3A_340] {strides = array<i32>} : memref<2x8192xf32, #tpu.memory_space<vmem>>, vector<16xf32>,
        tpu.vector_store %arg7[%swap3A_339, %swap3A_340], %gather3A {strides = array<i32>} : memref<2x8192xf32, #tpu.memory_space<vmem>>, vector<16xf32>,
        %add3A_342 = arith.constant 25 : i32
        %add3A_343 = vector.broadcast %add3A_342 : i32 to vector<16xi32>
        %add3A_344 = arith.addi %mul3A_325, %add3A_343 : vector<16xi32>
        %gather3A_345 = tpu.vector_load_idx %arg5[%add3A_344] : memref<64000xf32, #tpu.memory_space<vmem>>[vector<16xi32>], vector<16xf32>,
        %add3A_346 = arith.constant 128 : i32
        %add3A_347 = arith.addi %add3A_333, %add3A_346 : i32
        %swap3A_348 = arith.constant 1 : i32
        %swap3A_349 = arith.index_cast %swap3A_348 : i32 to index
        %swap3A_350 = arith.index_cast %add3A_347 : i32 to index
        %swap3A_351 = tpu.vector_load %arg7[%swap3A_349, %swap3A_350] {strides = array<i32>} : memref<2x8192xf32, #tpu.memory_space<vmem>>, vector<16xf32>,
        tpu.vector_store %arg7[%swap3A_349, %swap3A_350], %gather3A_345 {strides = array<i32>} : memref<2x8192xf32, #tpu.memory_space<vmem>>, vector<16xf32>,
        %add3A_352 = arith.constant 26 : i32
        %add3A_353 = vector.broadcast %add3A_352 : i32 to vector<16xi32>
        %add3A_354 = arith.addi %mul3A_325, %add3A_353 : vector<16xi32>
        %gather3A_355 = tpu.vector_load_idx %arg5[%add3A_354] : memref<64000xf32, #tpu.memory_space<vmem>>[vector<16xi32>], vector<16xf32>,
        %add3A_356 = arith.constant 256 : i32
        %add3A_357 = arith.addi %add3A_333, %add3A_356 : i32
        %swap3A_358 = arith.constant 1 : i32
        %swap3A_359 = arith.index_cast %swap3A_358 : i32 to index
        %swap3A_360 = arith.index_cast %add3A_357 : i32 to index
        %swap3A_361 = tpu.vector_load %arg7[%swap3A_359, %swap3A_360] {strides = array<i32>} : memref<2x8192xf32, #tpu.memory_space<vmem>>, vector<16xf32>,
        tpu.vector_store %arg7[%swap3A_359, %swap3A_360], %gather3A_355 {strides = array<i32>} : memref<2x8192xf32, #tpu.memory_space<vmem>>, vector<16xf32>,
        %add3A_362 = arith.constant 27 : i32
        %add3A_363 = vector.broadcast %add3A_362 : i32 to vector<16xi32>
        %add3A_364 = arith.addi %mul3A_325, %add3A_363 : vector<16xi32>
        %gather3A_365 = tpu.vector_load_idx %arg5[%add3A_364] : memref<64000xf32, #tpu.memory_space<vmem>>[vector<16xi32>], vector<16xf32>,
        %add3A_366 = arith.constant 384 : i32
        %add3A_367 = arith.addi %add3A_333, %add3A_366 : i32
        %swap3A_368 = arith.constant 1 : i32
        %swap3A_369 = arith.index_cast %swap3A_368 : i32 to index
        %swap3A_370 = arith.index_cast %add3A_367 : i32 to index
        %swap3A_371 = tpu.vector_load %arg7[%swap3A_369, %swap3A_370] {strides = array<i32>} : memref<2x8192xf32, #tpu.memory_space<vmem>>, vector<16xf32>,
        tpu.vector_store %arg7[%swap3A_369, %swap3A_370], %gather3A_365 {strides = array<i32>} : memref<2x8192xf32, #tpu.memory_space<vmem>>, vector<16xf32>,
        %add3A_372 = arith.constant 28 : i32
        %add3A_373 = vector.broadcast %add3A_372 : i32 to vector<16xi32>
        %add3A_374 = arith.addi %mul3A_325, %add3A_373 : vector<16xi32>
        %gather3A_375 = tpu.vector_load_idx %arg5[%add3A_374] : memref<64000xf32, #tpu.memory_space<vmem>>[vector<16xi32>], vector<16xf32>,
        %add3A_376 = arith.constant 512 : i32
        %add3A_377 = arith.addi %add3A_333, %add3A_376 : i32
        %swap3A_378 = arith.constant 1 : i32
        %swap3A_379 = arith.index_cast %swap3A_378 : i32 to index
        %swap3A_380 = arith.index_cast %add3A_377 : i32 to index
        %swap3A_381 = tpu.vector_load %arg7[%swap3A_379, %swap3A_380] {strides = array<i32>} : memref<2x8192xf32, #tpu.memory_space<vmem>>, vector<16xf32>,
        tpu.vector_store %arg7[%swap3A_379, %swap3A_380], %gather3A_375 {strides = array<i32>} : memref<2x8192xf32, #tpu.memory_space<vmem>>, vector<16xf32>,
        %add3A_382 = arith.constant 29 : i32
        %add3A_383 = vector.broadcast %add3A_382 : i32 to vector<16xi32>
        %add3A_384 = arith.addi %mul3A_325, %add3A_383 : vector<16xi32>
        %gather3A_385 = tpu.vector_load_idx %arg5[%add3A_384] : memref<64000xf32, #tpu.memory_space<vmem>>[vector<16xi32>], vector<16xf32>,
        %add3A_386 = arith.constant 640 : i32
        %add3A_387 = arith.addi %add3A_333, %add3A_386 : i32
        %swap3A_388 = arith.constant 1 : i32
        %swap3A_389 = arith.index_cast %swap3A_388 : i32 to index
        %swap3A_390 = arith.index_cast %add3A_387 : i32 to index
        %swap3A_391 = tpu.vector_load %arg7[%swap3A_389, %swap3A_390] {strides = array<i32>} : memref<2x8192xf32, #tpu.memory_space<vmem>>, vector<16xf32>,
        tpu.vector_store %arg7[%swap3A_389, %swap3A_390], %gather3A_385 {strides = array<i32>} : memref<2x8192xf32, #tpu.memory_space<vmem>>, vector<16xf32>,
        %add3A_392 = arith.constant 30 : i32
        %add3A_393 = vector.broadcast %add3A_392 : i32 to vector<16xi32>
        %add3A_394 = arith.addi %mul3A_325, %add3A_393 : vector<16xi32>
        %gather3A_395 = tpu.vector_load_idx %arg5[%add3A_394] : memref<64000xf32, #tpu.memory_space<vmem>>[vector<16xi32>], vector<16xf32>,
        %add3A_396 = arith.constant 768 : i32
        %add3A_397 = arith.addi %add3A_333, %add3A_396 : i32
        %swap3A_398 = arith.constant 1 : i32
        %swap3A_399 = arith.index_cast %swap3A_398 : i32 to index
        %swap3A_400 = arith.index_cast %add3A_397 : i32 to index
        %swap3A_401 = tpu.vector_load %arg7[%swap3A_399, %swap3A_400] {strides = array<i32>} : memref<2x8192xf32, #tpu.memory_space<vmem>>, vector<16xf32>,
        tpu.vector_store %arg7[%swap3A_399, %swap3A_400], %gather3A_395 {strides = array<i32>} : memref<2x8192xf32, #tpu.memory_space<vmem>>, vector<16xf32>,
        %add3A_402 = arith.constant 31 : i32
        %add3A_403 = vector.broadcast %add3A_402 : i32 to vector<16xi32>
        %add3A_404 = arith.addi %mul3A_325, %add3A_403 : vector<16xi32>
        %gather3A_405 = tpu.vector_load_idx %arg5[%add3A_404] : memref<64000xf32, #tpu.memory_space<vmem>>[vector<16xi32>], vector<16xf32>,
        %add3A_406 = arith.constant 896 : i32
        %add3A_407 = arith.addi %add3A_333, %add3A_406 : i32
        %swap3A_408 = arith.constant 1 : i32
        %swap3A_409 = arith.index_cast %swap3A_408 : i32 to index
        %swap3A_410 = arith.index_cast %add3A_407 : i32 to index
        %swap3A_411 = tpu.vector_load %arg7[%swap3A_409, %swap3A_410] {strides = array<i32>} : memref<2x8192xf32, #tpu.memory_space<vmem>>, vector<16xf32>,
        tpu.vector_store %arg7[%swap3A_409, %swap3A_410], %gather3A_405 {strides = array<i32>} : memref<2x8192xf32, #tpu.memory_space<vmem>>, vector<16xf32>,
      }
      %scan3A_169 = arith.constant 64 : i32
      %add3A_170 = arith.constant 98304 : i32
      %add3A_171 = arith.addi %add3A_73, %add3A_170 : i32
      %dma_start3A_172 = arith.constant 1 : i32
      %dma_start3A_173 = arith.constant 1 : i32
      %dma_start3A_174 = arith.constant 0 : i32
      %dma_start3A_175 = tpu.memref_slice %arg7[%dma_start3A_172, %dma_start3A_174] : memref<2x8192xf32, #tpu.memory_space<vmem>> -> memref<1x8192xf32, #tpu.memory_space<vmem>>
      %dma_start3A_176 = tpu.memref_squeeze %dma_start3A_175 : memref<1x8192xf32, #tpu.memory_space<vmem>> -> memref<8192xf32, #tpu.memory_space<vmem>>
      %dma_start3A_177 = tpu.memref_slice %arg4[%add3A_171] : memref<52428800xf32, #tpu.memory_space<hbm>> -> memref<8192xf32, #tpu.memory_space<hbm>>
      %dma_start3A_178 = tpu.memref_slice %arg8[%dma_start3A_173] : memref<2x!tpu.dma_semaphore, #tpu.memory_space<semaphore_mem>> -> memref<1x!tpu.dma_semaphore, #tpu.memory_space<semaphore_mem>>
      %dma_start3A_179 = tpu.memref_squeeze %dma_start3A_178 : memref<1x!tpu.dma_semaphore, #tpu.memory_space<semaphore_mem>> -> memref<!tpu.dma_semaphore, #tpu.memory_space<semaphore_mem>>
      %dma_start3A_180 = tpu.memref_slice %arg4[%add3A_171] : memref<52428800xf32, #tpu.memory_space<hbm>> -> memref<8192xf32, #tpu.memory_space<hbm>>
      %dma_start3A_181 = arith.constant 0 : i32
      %dma_start3A_182 = tpu.memref_slice %arg7[%dma_start3A_172, %dma_start3A_181] : memref<2x8192xf32, #tpu.memory_space<vmem>> -> memref<1x8192xf32, #tpu.memory_space<vmem>>
      %dma_start3A_183 = tpu.memref_squeeze %dma_start3A_182 : memref<1x8192xf32, #tpu.memory_space<vmem>> -> memref<8192xf32, #tpu.memory_space<vmem>>
      tpu.enqueue_dma source(%dma_start3A_183 : memref<8192xf32, #tpu.memory_space<vmem>>) target(%dma_start3A_180 : memref<8192xf32, #tpu.memory_space<hbm>>) target_semaphore(%dma_start3A_179 : memref<!tpu.dma_semaphore, #tpu.memory_space<semaphore_mem>>)
      %dma_wait3A_184 = arith.constant 0 : i32
      %dma_wait3A_185 = arith.constant 0 : i32
      %dma_wait3A_186 = arith.constant 0 : i32
      %dma_wait3A_187 = tpu.memref_slice %arg7[%dma_wait3A_184, %dma_wait3A_186] : memref<2x8192xf32, #tpu.memory_space<vmem>> -> memref<1x8192xf32, #tpu.memory_space<vmem>>
      %dma_wait3A_188 = tpu.memref_squeeze %dma_wait3A_187 : memref<1x8192xf32, #tpu.memory_space<vmem>> -> memref<8192xf32, #tpu.memory_space<vmem>>
      %dma_wait3A_189 = arith.constant 0 : i32
      %dma_wait3A_190 = tpu.memref_slice %arg4[%dma_wait3A_189] : memref<52428800xf32, #tpu.memory_space<hbm>> -> memref<8192xf32, #tpu.memory_space<hbm>>
      %dma_wait3A_191 = tpu.memref_slice %arg8[%dma_wait3A_185] : memref<2x!tpu.dma_semaphore, #tpu.memory_space<semaphore_mem>> -> memref<1x!tpu.dma_semaphore, #tpu.memory_space<semaphore_mem>>
      %dma_wait3A_192 = tpu.memref_squeeze %dma_wait3A_191 : memref<1x!tpu.dma_semaphore, #tpu.memory_space<semaphore_mem>> -> memref<!tpu.dma_semaphore, #tpu.memory_space<semaphore_mem>>
      %dma_wait3A_193 = arith.constant 0 : i32
      %dma_wait3A_194 = tpu.memref_slice %arg7[%dma_wait3A_184, %dma_wait3A_193] : memref<2x8192xf32, #tpu.memory_space<vmem>> -> memref<1x8192xf32, #tpu.memory_space<vmem>>
      %dma_wait3A_195 = tpu.memref_squeeze %dma_wait3A_194 : memref<1x8192xf32, #tpu.memory_space<vmem>> -> memref<8192xf32, #tpu.memory_space<vmem>>
      %dma_wait3A_196 = arith.constant 0 : i32
      %dma_wait3A_197 = tpu.memref_slice %arg4[%dma_wait3A_196] : memref<52428800xf32, #tpu.memory_space<hbm>> -> memref<8192xf32, #tpu.memory_space<hbm>>
      tpu.wait_dma2 semaphore(%dma_wait3A_192 : memref<!tpu.dma_semaphore, #tpu.memory_space<semaphore_mem>>) src(%dma_wait3A_197 : memref<8192xf32, #tpu.memory_space<hbm>>) dst(%dma_wait3A_195 : memref<8192xf32, #tpu.memory_space<vmem>>)
      %scan3A_198 = arith.constant 0 : i32
      %scan3A_199 = arith.constant 64 : i32
      %scan3A_200 = arith.addi %scan3A_198, %scan3A_199 : i32
      %scan3A_201 = arith.constant 1 : i32
      scf.for %scan3A_316 = %scan3A_198 to %scan3A_200 step %scan3A_201  : i32 {
        %mul3A_317 = arith.constant 1024 : i32
        %mul3A_318 = arith.muli %scan3A_36, %mul3A_317 : i32
        %mul3A_319 = arith.constant 16 : i32
        %mul3A_320 = arith.muli %scan3A_316, %mul3A_319 : i32
        %add3A_321 = arith.addi %mul3A_318, %mul3A_320 : i32
        %get3A = arith.index_cast %add3A_321 : i32 to index
        %get3A_322 = tpu.vector_load %arg6[%get3A] {strides = array<i32>} : memref<25600xi32, #tpu.memory_space<vmem>>, vector<16xi32>,
        %mul3A_323 = arith.constant 64 : i32
        %mul3A_324 = vector.broadcast %mul3A_323 : i32 to vector<16xi32>
        %mul3A_325 = arith.muli %get3A_322, %mul3A_324 : vector<16xi32>
        %shift_right_logical3A = arith.constant 3 : i32
        %shift_right_logical3A_326 = arith.shrui %scan3A_316, %shift_right_logical3A : i32
        %mul3A_327 = arith.constant 1024 : i32
        %mul3A_328 = arith.muli %shift_right_logical3A_326, %mul3A_327 : i32
        %and3A_329 = arith.constant 7 : i32
        %and3A_330 = arith.andi %scan3A_316, %and3A_329 : i32
        %mul3A_331 = arith.constant 16 : i32
        %mul3A_332 = arith.muli %and3A_330, %mul3A_331 : i32
        %add3A_333 = arith.addi %mul3A_328, %mul3A_332 : i32
        %add3A_334 = arith.constant 32 : i32
        %add3A_335 = vector.broadcast %add3A_334 : i32 to vector<16xi32>
        %add3A_336 = arith.addi %mul3A_325, %add3A_335 : vector<16xi32>
        %gather3A = tpu.vector_load_idx %arg5[%add3A_336] : memref<64000xf32, #tpu.memory_space<vmem>>[vector<16xi32>], vector<16xf32>,
        %add3A_337 = arith.constant 0 : i32
        %add3A_338 = arith.addi %add3A_333, %add3A_337 : i32
        %swap3A = arith.constant 0 : i32
        %swap3A_339 = arith.index_cast %swap3A : i32 to index
        %swap3A_340 = arith.index_cast %add3A_338 : i32 to index
        %swap3A_341 = tpu.vector_load %arg7[%swap3A_339, %swap3A_340] {strides = array<i32>} : memref<2x8192xf32, #tpu.memory_space<vmem>>, vector<16xf32>,
        tpu.vector_store %arg7[%swap3A_339, %swap3A_340], %gather3A {strides = array<i32>} : memref<2x8192xf32, #tpu.memory_space<vmem>>, vector<16xf32>,
        %add3A_342 = arith.constant 33 : i32
        %add3A_343 = vector.broadcast %add3A_342 : i32 to vector<16xi32>
        %add3A_344 = arith.addi %mul3A_325, %add3A_343 : vector<16xi32>
        %gather3A_345 = tpu.vector_load_idx %arg5[%add3A_344] : memref<64000xf32, #tpu.memory_space<vmem>>[vector<16xi32>], vector<16xf32>,
        %add3A_346 = arith.constant 128 : i32
        %add3A_347 = arith.addi %add3A_333, %add3A_346 : i32
        %swap3A_348 = arith.constant 0 : i32
        %swap3A_349 = arith.index_cast %swap3A_348 : i32 to index
        %swap3A_350 = arith.index_cast %add3A_347 : i32 to index
        %swap3A_351 = tpu.vector_load %arg7[%swap3A_349, %swap3A_350] {strides = array<i32>} : memref<2x8192xf32, #tpu.memory_space<vmem>>, vector<16xf32>,
        tpu.vector_store %arg7[%swap3A_349, %swap3A_350], %gather3A_345 {strides = array<i32>} : memref<2x8192xf32, #tpu.memory_space<vmem>>, vector<16xf32>,
        %add3A_352 = arith.constant 34 : i32
        %add3A_353 = vector.broadcast %add3A_352 : i32 to vector<16xi32>
        %add3A_354 = arith.addi %mul3A_325, %add3A_353 : vector<16xi32>
        %gather3A_355 = tpu.vector_load_idx %arg5[%add3A_354] : memref<64000xf32, #tpu.memory_space<vmem>>[vector<16xi32>], vector<16xf32>,
        %add3A_356 = arith.constant 256 : i32
        %add3A_357 = arith.addi %add3A_333, %add3A_356 : i32
        %swap3A_358 = arith.constant 0 : i32
        %swap3A_359 = arith.index_cast %swap3A_358 : i32 to index
        %swap3A_360 = arith.index_cast %add3A_357 : i32 to index
        %swap3A_361 = tpu.vector_load %arg7[%swap3A_359, %swap3A_360] {strides = array<i32>} : memref<2x8192xf32, #tpu.memory_space<vmem>>, vector<16xf32>,
        tpu.vector_store %arg7[%swap3A_359, %swap3A_360], %gather3A_355 {strides = array<i32>} : memref<2x8192xf32, #tpu.memory_space<vmem>>, vector<16xf32>,
        %add3A_362 = arith.constant 35 : i32
        %add3A_363 = vector.broadcast %add3A_362 : i32 to vector<16xi32>
        %add3A_364 = arith.addi %mul3A_325, %add3A_363 : vector<16xi32>
        %gather3A_365 = tpu.vector_load_idx %arg5[%add3A_364] : memref<64000xf32, #tpu.memory_space<vmem>>[vector<16xi32>], vector<16xf32>,
        %add3A_366 = arith.constant 384 : i32
        %add3A_367 = arith.addi %add3A_333, %add3A_366 : i32
        %swap3A_368 = arith.constant 0 : i32
        %swap3A_369 = arith.index_cast %swap3A_368 : i32 to index
        %swap3A_370 = arith.index_cast %add3A_367 : i32 to index
        %swap3A_371 = tpu.vector_load %arg7[%swap3A_369, %swap3A_370] {strides = array<i32>} : memref<2x8192xf32, #tpu.memory_space<vmem>>, vector<16xf32>,
        tpu.vector_store %arg7[%swap3A_369, %swap3A_370], %gather3A_365 {strides = array<i32>} : memref<2x8192xf32, #tpu.memory_space<vmem>>, vector<16xf32>,
        %add3A_372 = arith.constant 36 : i32
        %add3A_373 = vector.broadcast %add3A_372 : i32 to vector<16xi32>
        %add3A_374 = arith.addi %mul3A_325, %add3A_373 : vector<16xi32>
        %gather3A_375 = tpu.vector_load_idx %arg5[%add3A_374] : memref<64000xf32, #tpu.memory_space<vmem>>[vector<16xi32>], vector<16xf32>,
        %add3A_376 = arith.constant 512 : i32
        %add3A_377 = arith.addi %add3A_333, %add3A_376 : i32
        %swap3A_378 = arith.constant 0 : i32
        %swap3A_379 = arith.index_cast %swap3A_378 : i32 to index
        %swap3A_380 = arith.index_cast %add3A_377 : i32 to index
        %swap3A_381 = tpu.vector_load %arg7[%swap3A_379, %swap3A_380] {strides = array<i32>} : memref<2x8192xf32, #tpu.memory_space<vmem>>, vector<16xf32>,
        tpu.vector_store %arg7[%swap3A_379, %swap3A_380], %gather3A_375 {strides = array<i32>} : memref<2x8192xf32, #tpu.memory_space<vmem>>, vector<16xf32>,
        %add3A_382 = arith.constant 37 : i32
        %add3A_383 = vector.broadcast %add3A_382 : i32 to vector<16xi32>
        %add3A_384 = arith.addi %mul3A_325, %add3A_383 : vector<16xi32>
        %gather3A_385 = tpu.vector_load_idx %arg5[%add3A_384] : memref<64000xf32, #tpu.memory_space<vmem>>[vector<16xi32>], vector<16xf32>,
        %add3A_386 = arith.constant 640 : i32
        %add3A_387 = arith.addi %add3A_333, %add3A_386 : i32
        %swap3A_388 = arith.constant 0 : i32
        %swap3A_389 = arith.index_cast %swap3A_388 : i32 to index
        %swap3A_390 = arith.index_cast %add3A_387 : i32 to index
        %swap3A_391 = tpu.vector_load %arg7[%swap3A_389, %swap3A_390] {strides = array<i32>} : memref<2x8192xf32, #tpu.memory_space<vmem>>, vector<16xf32>,
        tpu.vector_store %arg7[%swap3A_389, %swap3A_390], %gather3A_385 {strides = array<i32>} : memref<2x8192xf32, #tpu.memory_space<vmem>>, vector<16xf32>,
        %add3A_392 = arith.constant 38 : i32
        %add3A_393 = vector.broadcast %add3A_392 : i32 to vector<16xi32>
        %add3A_394 = arith.addi %mul3A_325, %add3A_393 : vector<16xi32>
        %gather3A_395 = tpu.vector_load_idx %arg5[%add3A_394] : memref<64000xf32, #tpu.memory_space<vmem>>[vector<16xi32>], vector<16xf32>,
        %add3A_396 = arith.constant 768 : i32
        %add3A_397 = arith.addi %add3A_333, %add3A_396 : i32
        %swap3A_398 = arith.constant 0 : i32
        %swap3A_399 = arith.index_cast %swap3A_398 : i32 to index
        %swap3A_400 = arith.index_cast %add3A_397 : i32 to index
        %swap3A_401 = tpu.vector_load %arg7[%swap3A_399, %swap3A_400] {strides = array<i32>} : memref<2x8192xf32, #tpu.memory_space<vmem>>, vector<16xf32>,
        tpu.vector_store %arg7[%swap3A_399, %swap3A_400], %gather3A_395 {strides = array<i32>} : memref<2x8192xf32, #tpu.memory_space<vmem>>, vector<16xf32>,
        %add3A_402 = arith.constant 39 : i32
        %add3A_403 = vector.broadcast %add3A_402 : i32 to vector<16xi32>
        %add3A_404 = arith.addi %mul3A_325, %add3A_403 : vector<16xi32>
        %gather3A_405 = tpu.vector_load_idx %arg5[%add3A_404] : memref<64000xf32, #tpu.memory_space<vmem>>[vector<16xi32>], vector<16xf32>,
        %add3A_406 = arith.constant 896 : i32
        %add3A_407 = arith.addi %add3A_333, %add3A_406 : i32
        %swap3A_408 = arith.constant 0 : i32
        %swap3A_409 = arith.index_cast %swap3A_408 : i32 to index
        %swap3A_410 = arith.index_cast %add3A_407 : i32 to index
        %swap3A_411 = tpu.vector_load %arg7[%swap3A_409, %swap3A_410] {strides = array<i32>} : memref<2x8192xf32, #tpu.memory_space<vmem>>, vector<16xf32>,
        tpu.vector_store %arg7[%swap3A_409, %swap3A_410], %gather3A_405 {strides = array<i32>} : memref<2x8192xf32, #tpu.memory_space<vmem>>, vector<16xf32>,
      }
      %scan3A_202 = arith.constant 64 : i32
      %add3A_203 = arith.constant 131072 : i32
      %add3A_204 = arith.addi %add3A_73, %add3A_203 : i32
      %dma_start3A_205 = arith.constant 0 : i32
      %dma_start3A_206 = arith.constant 0 : i32
      %dma_start3A_207 = arith.constant 0 : i32
      %dma_start3A_208 = tpu.memref_slice %arg7[%dma_start3A_205, %dma_start3A_207] : memref<2x8192xf32, #tpu.memory_space<vmem>> -> memref<1x8192xf32, #tpu.memory_space<vmem>>
      %dma_start3A_209 = tpu.memref_squeeze %dma_start3A_208 : memref<1x8192xf32, #tpu.memory_space<vmem>> -> memref<8192xf32, #tpu.memory_space<vmem>>
      %dma_start3A_210 = tpu.memref_slice %arg4[%add3A_204] : memref<52428800xf32, #tpu.memory_space<hbm>> -> memref<8192xf32, #tpu.memory_space<hbm>>
      %dma_start3A_211 = tpu.memref_slice %arg8[%dma_start3A_206] : memref<2x!tpu.dma_semaphore, #tpu.memory_space<semaphore_mem>> -> memref<1x!tpu.dma_semaphore, #tpu.memory_space<semaphore_mem>>
      %dma_start3A_212 = tpu.memref_squeeze %dma_start3A_211 : memref<1x!tpu.dma_semaphore, #tpu.memory_space<semaphore_mem>> -> memref<!tpu.dma_semaphore, #tpu.memory_space<semaphore_mem>>
      %dma_start3A_213 = tpu.memref_slice %arg4[%add3A_204] : memref<52428800xf32, #tpu.memory_space<hbm>> -> memref<8192xf32, #tpu.memory_space<hbm>>
      %dma_start3A_214 = arith.constant 0 : i32
      %dma_start3A_215 = tpu.memref_slice %arg7[%dma_start3A_205, %dma_start3A_214] : memref<2x8192xf32, #tpu.memory_space<vmem>> -> memref<1x8192xf32, #tpu.memory_space<vmem>>
      %dma_start3A_216 = tpu.memref_squeeze %dma_start3A_215 : memref<1x8192xf32, #tpu.memory_space<vmem>> -> memref<8192xf32, #tpu.memory_space<vmem>>
      tpu.enqueue_dma source(%dma_start3A_216 : memref<8192xf32, #tpu.memory_space<vmem>>) target(%dma_start3A_213 : memref<8192xf32, #tpu.memory_space<hbm>>) target_semaphore(%dma_start3A_212 : memref<!tpu.dma_semaphore, #tpu.memory_space<semaphore_mem>>)
      %dma_wait3A_217 = arith.constant 1 : i32
      %dma_wait3A_218 = arith.constant 1 : i32
      %dma_wait3A_219 = arith.constant 0 : i32
      %dma_wait3A_220 = tpu.memref_slice %arg7[%dma_wait3A_217, %dma_wait3A_219] : memref<2x8192xf32, #tpu.memory_space<vmem>> -> memref<1x8192xf32, #tpu.memory_space<vmem>>
      %dma_wait3A_221 = tpu.memref_squeeze %dma_wait3A_220 : memref<1x8192xf32, #tpu.memory_space<vmem>> -> memref<8192xf32, #tpu.memory_space<vmem>>
      %dma_wait3A_222 = arith.constant 0 : i32
      %dma_wait3A_223 = tpu.memref_slice %arg4[%dma_wait3A_222] : memref<52428800xf32, #tpu.memory_space<hbm>> -> memref<8192xf32, #tpu.memory_space<hbm>>
      %dma_wait3A_224 = tpu.memref_slice %arg8[%dma_wait3A_218] : memref<2x!tpu.dma_semaphore, #tpu.memory_space<semaphore_mem>> -> memref<1x!tpu.dma_semaphore, #tpu.memory_space<semaphore_mem>>
      %dma_wait3A_225 = tpu.memref_squeeze %dma_wait3A_224 : memref<1x!tpu.dma_semaphore, #tpu.memory_space<semaphore_mem>> -> memref<!tpu.dma_semaphore, #tpu.memory_space<semaphore_mem>>
      %dma_wait3A_226 = arith.constant 0 : i32
      %dma_wait3A_227 = tpu.memref_slice %arg7[%dma_wait3A_217, %dma_wait3A_226] : memref<2x8192xf32, #tpu.memory_space<vmem>> -> memref<1x8192xf32, #tpu.memory_space<vmem>>
      %dma_wait3A_228 = tpu.memref_squeeze %dma_wait3A_227 : memref<1x8192xf32, #tpu.memory_space<vmem>> -> memref<8192xf32, #tpu.memory_space<vmem>>
      %dma_wait3A_229 = arith.constant 0 : i32
      %dma_wait3A_230 = tpu.memref_slice %arg4[%dma_wait3A_229] : memref<52428800xf32, #tpu.memory_space<hbm>> -> memref<8192xf32, #tpu.memory_space<hbm>>
      tpu.wait_dma2 semaphore(%dma_wait3A_225 : memref<!tpu.dma_semaphore, #tpu.memory_space<semaphore_mem>>) src(%dma_wait3A_230 : memref<8192xf32, #tpu.memory_space<hbm>>) dst(%dma_wait3A_228 : memref<8192xf32, #tpu.memory_space<vmem>>)
      %scan3A_231 = arith.constant 0 : i32
      %scan3A_232 = arith.constant 64 : i32
      %scan3A_233 = arith.addi %scan3A_231, %scan3A_232 : i32
      %scan3A_234 = arith.constant 1 : i32
      scf.for %scan3A_316 = %scan3A_231 to %scan3A_233 step %scan3A_234  : i32 {
        %mul3A_317 = arith.constant 1024 : i32
        %mul3A_318 = arith.muli %scan3A_36, %mul3A_317 : i32
        %mul3A_319 = arith.constant 16 : i32
        %mul3A_320 = arith.muli %scan3A_316, %mul3A_319 : i32
        %add3A_321 = arith.addi %mul3A_318, %mul3A_320 : i32
        %get3A = arith.index_cast %add3A_321 : i32 to index
        %get3A_322 = tpu.vector_load %arg6[%get3A] {strides = array<i32>} : memref<25600xi32, #tpu.memory_space<vmem>>, vector<16xi32>,
        %mul3A_323 = arith.constant 64 : i32
        %mul3A_324 = vector.broadcast %mul3A_323 : i32 to vector<16xi32>
        %mul3A_325 = arith.muli %get3A_322, %mul3A_324 : vector<16xi32>
        %shift_right_logical3A = arith.constant 3 : i32
        %shift_right_logical3A_326 = arith.shrui %scan3A_316, %shift_right_logical3A : i32
        %mul3A_327 = arith.constant 1024 : i32
        %mul3A_328 = arith.muli %shift_right_logical3A_326, %mul3A_327 : i32
        %and3A_329 = arith.constant 7 : i32
        %and3A_330 = arith.andi %scan3A_316, %and3A_329 : i32
        %mul3A_331 = arith.constant 16 : i32
        %mul3A_332 = arith.muli %and3A_330, %mul3A_331 : i32
        %add3A_333 = arith.addi %mul3A_328, %mul3A_332 : i32
        %add3A_334 = arith.constant 40 : i32
        %add3A_335 = vector.broadcast %add3A_334 : i32 to vector<16xi32>
        %add3A_336 = arith.addi %mul3A_325, %add3A_335 : vector<16xi32>
        %gather3A = tpu.vector_load_idx %arg5[%add3A_336] : memref<64000xf32, #tpu.memory_space<vmem>>[vector<16xi32>], vector<16xf32>,
        %add3A_337 = arith.constant 0 : i32
        %add3A_338 = arith.addi %add3A_333, %add3A_337 : i32
        %swap3A = arith.constant 1 : i32
        %swap3A_339 = arith.index_cast %swap3A : i32 to index
        %swap3A_340 = arith.index_cast %add3A_338 : i32 to index
        %swap3A_341 = tpu.vector_load %arg7[%swap3A_339, %swap3A_340] {strides = array<i32>} : memref<2x8192xf32, #tpu.memory_space<vmem>>, vector<16xf32>,
        tpu.vector_store %arg7[%swap3A_339, %swap3A_340], %gather3A {strides = array<i32>} : memref<2x8192xf32, #tpu.memory_space<vmem>>, vector<16xf32>,
        %add3A_342 = arith.constant 41 : i32
        %add3A_343 = vector.broadcast %add3A_342 : i32 to vector<16xi32>
        %add3A_344 = arith.addi %mul3A_325, %add3A_343 : vector<16xi32>
        %gather3A_345 = tpu.vector_load_idx %arg5[%add3A_344] : memref<64000xf32, #tpu.memory_space<vmem>>[vector<16xi32>], vector<16xf32>,
        %add3A_346 = arith.constant 128 : i32
        %add3A_347 = arith.addi %add3A_333, %add3A_346 : i32
        %swap3A_348 = arith.constant 1 : i32
        %swap3A_349 = arith.index_cast %swap3A_348 : i32 to index
        %swap3A_350 = arith.index_cast %add3A_347 : i32 to index
        %swap3A_351 = tpu.vector_load %arg7[%swap3A_349, %swap3A_350] {strides = array<i32>} : memref<2x8192xf32, #tpu.memory_space<vmem>>, vector<16xf32>,
        tpu.vector_store %arg7[%swap3A_349, %swap3A_350], %gather3A_345 {strides = array<i32>} : memref<2x8192xf32, #tpu.memory_space<vmem>>, vector<16xf32>,
        %add3A_352 = arith.constant 42 : i32
        %add3A_353 = vector.broadcast %add3A_352 : i32 to vector<16xi32>
        %add3A_354 = arith.addi %mul3A_325, %add3A_353 : vector<16xi32>
        %gather3A_355 = tpu.vector_load_idx %arg5[%add3A_354] : memref<64000xf32, #tpu.memory_space<vmem>>[vector<16xi32>], vector<16xf32>,
        %add3A_356 = arith.constant 256 : i32
        %add3A_357 = arith.addi %add3A_333, %add3A_356 : i32
        %swap3A_358 = arith.constant 1 : i32
        %swap3A_359 = arith.index_cast %swap3A_358 : i32 to index
        %swap3A_360 = arith.index_cast %add3A_357 : i32 to index
        %swap3A_361 = tpu.vector_load %arg7[%swap3A_359, %swap3A_360] {strides = array<i32>} : memref<2x8192xf32, #tpu.memory_space<vmem>>, vector<16xf32>,
        tpu.vector_store %arg7[%swap3A_359, %swap3A_360], %gather3A_355 {strides = array<i32>} : memref<2x8192xf32, #tpu.memory_space<vmem>>, vector<16xf32>,
        %add3A_362 = arith.constant 43 : i32
        %add3A_363 = vector.broadcast %add3A_362 : i32 to vector<16xi32>
        %add3A_364 = arith.addi %mul3A_325, %add3A_363 : vector<16xi32>
        %gather3A_365 = tpu.vector_load_idx %arg5[%add3A_364] : memref<64000xf32, #tpu.memory_space<vmem>>[vector<16xi32>], vector<16xf32>,
        %add3A_366 = arith.constant 384 : i32
        %add3A_367 = arith.addi %add3A_333, %add3A_366 : i32
        %swap3A_368 = arith.constant 1 : i32
        %swap3A_369 = arith.index_cast %swap3A_368 : i32 to index
        %swap3A_370 = arith.index_cast %add3A_367 : i32 to index
        %swap3A_371 = tpu.vector_load %arg7[%swap3A_369, %swap3A_370] {strides = array<i32>} : memref<2x8192xf32, #tpu.memory_space<vmem>>, vector<16xf32>,
        tpu.vector_store %arg7[%swap3A_369, %swap3A_370], %gather3A_365 {strides = array<i32>} : memref<2x8192xf32, #tpu.memory_space<vmem>>, vector<16xf32>,
        %add3A_372 = arith.constant 44 : i32
        %add3A_373 = vector.broadcast %add3A_372 : i32 to vector<16xi32>
        %add3A_374 = arith.addi %mul3A_325, %add3A_373 : vector<16xi32>
        %gather3A_375 = tpu.vector_load_idx %arg5[%add3A_374] : memref<64000xf32, #tpu.memory_space<vmem>>[vector<16xi32>], vector<16xf32>,
        %add3A_376 = arith.constant 512 : i32
        %add3A_377 = arith.addi %add3A_333, %add3A_376 : i32
        %swap3A_378 = arith.constant 1 : i32
        %swap3A_379 = arith.index_cast %swap3A_378 : i32 to index
        %swap3A_380 = arith.index_cast %add3A_377 : i32 to index
        %swap3A_381 = tpu.vector_load %arg7[%swap3A_379, %swap3A_380] {strides = array<i32>} : memref<2x8192xf32, #tpu.memory_space<vmem>>, vector<16xf32>,
        tpu.vector_store %arg7[%swap3A_379, %swap3A_380], %gather3A_375 {strides = array<i32>} : memref<2x8192xf32, #tpu.memory_space<vmem>>, vector<16xf32>,
        %add3A_382 = arith.constant 45 : i32
        %add3A_383 = vector.broadcast %add3A_382 : i32 to vector<16xi32>
        %add3A_384 = arith.addi %mul3A_325, %add3A_383 : vector<16xi32>
        %gather3A_385 = tpu.vector_load_idx %arg5[%add3A_384] : memref<64000xf32, #tpu.memory_space<vmem>>[vector<16xi32>], vector<16xf32>,
        %add3A_386 = arith.constant 640 : i32
        %add3A_387 = arith.addi %add3A_333, %add3A_386 : i32
        %swap3A_388 = arith.constant 1 : i32
        %swap3A_389 = arith.index_cast %swap3A_388 : i32 to index
        %swap3A_390 = arith.index_cast %add3A_387 : i32 to index
        %swap3A_391 = tpu.vector_load %arg7[%swap3A_389, %swap3A_390] {strides = array<i32>} : memref<2x8192xf32, #tpu.memory_space<vmem>>, vector<16xf32>,
        tpu.vector_store %arg7[%swap3A_389, %swap3A_390], %gather3A_385 {strides = array<i32>} : memref<2x8192xf32, #tpu.memory_space<vmem>>, vector<16xf32>,
        %add3A_392 = arith.constant 46 : i32
        %add3A_393 = vector.broadcast %add3A_392 : i32 to vector<16xi32>
        %add3A_394 = arith.addi %mul3A_325, %add3A_393 : vector<16xi32>
        %gather3A_395 = tpu.vector_load_idx %arg5[%add3A_394] : memref<64000xf32, #tpu.memory_space<vmem>>[vector<16xi32>], vector<16xf32>,
        %add3A_396 = arith.constant 768 : i32
        %add3A_397 = arith.addi %add3A_333, %add3A_396 : i32
        %swap3A_398 = arith.constant 1 : i32
        %swap3A_399 = arith.index_cast %swap3A_398 : i32 to index
        %swap3A_400 = arith.index_cast %add3A_397 : i32 to index
        %swap3A_401 = tpu.vector_load %arg7[%swap3A_399, %swap3A_400] {strides = array<i32>} : memref<2x8192xf32, #tpu.memory_space<vmem>>, vector<16xf32>,
        tpu.vector_store %arg7[%swap3A_399, %swap3A_400], %gather3A_395 {strides = array<i32>} : memref<2x8192xf32, #tpu.memory_space<vmem>>, vector<16xf32>,
        %add3A_402 = arith.constant 47 : i32
        %add3A_403 = vector.broadcast %add3A_402 : i32 to vector<16xi32>
        %add3A_404 = arith.addi %mul3A_325, %add3A_403 : vector<16xi32>
        %gather3A_405 = tpu.vector_load_idx %arg5[%add3A_404] : memref<64000xf32, #tpu.memory_space<vmem>>[vector<16xi32>], vector<16xf32>,
        %add3A_406 = arith.constant 896 : i32
        %add3A_407 = arith.addi %add3A_333, %add3A_406 : i32
        %swap3A_408 = arith.constant 1 : i32
        %swap3A_409 = arith.index_cast %swap3A_408 : i32 to index
        %swap3A_410 = arith.index_cast %add3A_407 : i32 to index
        %swap3A_411 = tpu.vector_load %arg7[%swap3A_409, %swap3A_410] {strides = array<i32>} : memref<2x8192xf32, #tpu.memory_space<vmem>>, vector<16xf32>,
        tpu.vector_store %arg7[%swap3A_409, %swap3A_410], %gather3A_405 {strides = array<i32>} : memref<2x8192xf32, #tpu.memory_space<vmem>>, vector<16xf32>,
      }
      %scan3A_235 = arith.constant 64 : i32
      %add3A_236 = arith.constant 163840 : i32
      %add3A_237 = arith.addi %add3A_73, %add3A_236 : i32
      %dma_start3A_238 = arith.constant 1 : i32
      %dma_start3A_239 = arith.constant 1 : i32
      %dma_start3A_240 = arith.constant 0 : i32
      %dma_start3A_241 = tpu.memref_slice %arg7[%dma_start3A_238, %dma_start3A_240] : memref<2x8192xf32, #tpu.memory_space<vmem>> -> memref<1x8192xf32, #tpu.memory_space<vmem>>
      %dma_start3A_242 = tpu.memref_squeeze %dma_start3A_241 : memref<1x8192xf32, #tpu.memory_space<vmem>> -> memref<8192xf32, #tpu.memory_space<vmem>>
      %dma_start3A_243 = tpu.memref_slice %arg4[%add3A_237] : memref<52428800xf32, #tpu.memory_space<hbm>> -> memref<8192xf32, #tpu.memory_space<hbm>>
      %dma_start3A_244 = tpu.memref_slice %arg8[%dma_start3A_239] : memref<2x!tpu.dma_semaphore, #tpu.memory_space<semaphore_mem>> -> memref<1x!tpu.dma_semaphore, #tpu.memory_space<semaphore_mem>>
      %dma_start3A_245 = tpu.memref_squeeze %dma_start3A_244 : memref<1x!tpu.dma_semaphore, #tpu.memory_space<semaphore_mem>> -> memref<!tpu.dma_semaphore, #tpu.memory_space<semaphore_mem>>
      %dma_start3A_246 = tpu.memref_slice %arg4[%add3A_237] : memref<52428800xf32, #tpu.memory_space<hbm>> -> memref<8192xf32, #tpu.memory_space<hbm>>
      %dma_start3A_247 = arith.constant 0 : i32
      %dma_start3A_248 = tpu.memref_slice %arg7[%dma_start3A_238, %dma_start3A_247] : memref<2x8192xf32, #tpu.memory_space<vmem>> -> memref<1x8192xf32, #tpu.memory_space<vmem>>
      %dma_start3A_249 = tpu.memref_squeeze %dma_start3A_248 : memref<1x8192xf32, #tpu.memory_space<vmem>> -> memref<8192xf32, #tpu.memory_space<vmem>>
      tpu.enqueue_dma source(%dma_start3A_249 : memref<8192xf32, #tpu.memory_space<vmem>>) target(%dma_start3A_246 : memref<8192xf32, #tpu.memory_space<hbm>>) target_semaphore(%dma_start3A_245 : memref<!tpu.dma_semaphore, #tpu.memory_space<semaphore_mem>>)
      %dma_wait3A_250 = arith.constant 0 : i32
      %dma_wait3A_251 = arith.constant 0 : i32
      %dma_wait3A_252 = arith.constant 0 : i32
      %dma_wait3A_253 = tpu.memref_slice %arg7[%dma_wait3A_250, %dma_wait3A_252] : memref<2x8192xf32, #tpu.memory_space<vmem>> -> memref<1x8192xf32, #tpu.memory_space<vmem>>
      %dma_wait3A_254 = tpu.memref_squeeze %dma_wait3A_253 : memref<1x8192xf32, #tpu.memory_space<vmem>> -> memref<8192xf32, #tpu.memory_space<vmem>>
      %dma_wait3A_255 = arith.constant 0 : i32
      %dma_wait3A_256 = tpu.memref_slice %arg4[%dma_wait3A_255] : memref<52428800xf32, #tpu.memory_space<hbm>> -> memref<8192xf32, #tpu.memory_space<hbm>>
      %dma_wait3A_257 = tpu.memref_slice %arg8[%dma_wait3A_251] : memref<2x!tpu.dma_semaphore, #tpu.memory_space<semaphore_mem>> -> memref<1x!tpu.dma_semaphore, #tpu.memory_space<semaphore_mem>>
      %dma_wait3A_258 = tpu.memref_squeeze %dma_wait3A_257 : memref<1x!tpu.dma_semaphore, #tpu.memory_space<semaphore_mem>> -> memref<!tpu.dma_semaphore, #tpu.memory_space<semaphore_mem>>
      %dma_wait3A_259 = arith.constant 0 : i32
      %dma_wait3A_260 = tpu.memref_slice %arg7[%dma_wait3A_250, %dma_wait3A_259] : memref<2x8192xf32, #tpu.memory_space<vmem>> -> memref<1x8192xf32, #tpu.memory_space<vmem>>
      %dma_wait3A_261 = tpu.memref_squeeze %dma_wait3A_260 : memref<1x8192xf32, #tpu.memory_space<vmem>> -> memref<8192xf32, #tpu.memory_space<vmem>>
      %dma_wait3A_262 = arith.constant 0 : i32
      %dma_wait3A_263 = tpu.memref_slice %arg4[%dma_wait3A_262] : memref<52428800xf32, #tpu.memory_space<hbm>> -> memref<8192xf32, #tpu.memory_space<hbm>>
      tpu.wait_dma2 semaphore(%dma_wait3A_258 : memref<!tpu.dma_semaphore, #tpu.memory_space<semaphore_mem>>) src(%dma_wait3A_263 : memref<8192xf32, #tpu.memory_space<hbm>>) dst(%dma_wait3A_261 : memref<8192xf32, #tpu.memory_space<vmem>>)
      %scan3A_264 = arith.constant 0 : i32
      %scan3A_265 = arith.constant 64 : i32
      %scan3A_266 = arith.addi %scan3A_264, %scan3A_265 : i32
      %scan3A_267 = arith.constant 1 : i32
      scf.for %scan3A_316 = %scan3A_264 to %scan3A_266 step %scan3A_267  : i32 {
        %mul3A_317 = arith.constant 1024 : i32
        %mul3A_318 = arith.muli %scan3A_36, %mul3A_317 : i32
        %mul3A_319 = arith.constant 16 : i32
        %mul3A_320 = arith.muli %scan3A_316, %mul3A_319 : i32
        %add3A_321 = arith.addi %mul3A_318, %mul3A_320 : i32
        %get3A = arith.index_cast %add3A_321 : i32 to index
        %get3A_322 = tpu.vector_load %arg6[%get3A] {strides = array<i32>} : memref<25600xi32, #tpu.memory_space<vmem>>, vector<16xi32>,
        %mul3A_323 = arith.constant 64 : i32
        %mul3A_324 = vector.broadcast %mul3A_323 : i32 to vector<16xi32>
        %mul3A_325 = arith.muli %get3A_322, %mul3A_324 : vector<16xi32>
        %shift_right_logical3A = arith.constant 3 : i32
        %shift_right_logical3A_326 = arith.shrui %scan3A_316, %shift_right_logical3A : i32
        %mul3A_327 = arith.constant 1024 : i32
        %mul3A_328 = arith.muli %shift_right_logical3A_326, %mul3A_327 : i32
        %and3A_329 = arith.constant 7 : i32
        %and3A_330 = arith.andi %scan3A_316, %and3A_329 : i32
        %mul3A_331 = arith.constant 16 : i32
        %mul3A_332 = arith.muli %and3A_330, %mul3A_331 : i32
        %add3A_333 = arith.addi %mul3A_328, %mul3A_332 : i32
        %add3A_334 = arith.constant 48 : i32
        %add3A_335 = vector.broadcast %add3A_334 : i32 to vector<16xi32>
        %add3A_336 = arith.addi %mul3A_325, %add3A_335 : vector<16xi32>
        %gather3A = tpu.vector_load_idx %arg5[%add3A_336] : memref<64000xf32, #tpu.memory_space<vmem>>[vector<16xi32>], vector<16xf32>,
        %add3A_337 = arith.constant 0 : i32
        %add3A_338 = arith.addi %add3A_333, %add3A_337 : i32
        %swap3A = arith.constant 0 : i32
        %swap3A_339 = arith.index_cast %swap3A : i32 to index
        %swap3A_340 = arith.index_cast %add3A_338 : i32 to index
        %swap3A_341 = tpu.vector_load %arg7[%swap3A_339, %swap3A_340] {strides = array<i32>} : memref<2x8192xf32, #tpu.memory_space<vmem>>, vector<16xf32>,
        tpu.vector_store %arg7[%swap3A_339, %swap3A_340], %gather3A {strides = array<i32>} : memref<2x8192xf32, #tpu.memory_space<vmem>>, vector<16xf32>,
        %add3A_342 = arith.constant 49 : i32
        %add3A_343 = vector.broadcast %add3A_342 : i32 to vector<16xi32>
        %add3A_344 = arith.addi %mul3A_325, %add3A_343 : vector<16xi32>
        %gather3A_345 = tpu.vector_load_idx %arg5[%add3A_344] : memref<64000xf32, #tpu.memory_space<vmem>>[vector<16xi32>], vector<16xf32>,
        %add3A_346 = arith.constant 128 : i32
        %add3A_347 = arith.addi %add3A_333, %add3A_346 : i32
        %swap3A_348 = arith.constant 0 : i32
        %swap3A_349 = arith.index_cast %swap3A_348 : i32 to index
        %swap3A_350 = arith.index_cast %add3A_347 : i32 to index
        %swap3A_351 = tpu.vector_load %arg7[%swap3A_349, %swap3A_350] {strides = array<i32>} : memref<2x8192xf32, #tpu.memory_space<vmem>>, vector<16xf32>,
        tpu.vector_store %arg7[%swap3A_349, %swap3A_350], %gather3A_345 {strides = array<i32>} : memref<2x8192xf32, #tpu.memory_space<vmem>>, vector<16xf32>,
        %add3A_352 = arith.constant 50 : i32
        %add3A_353 = vector.broadcast %add3A_352 : i32 to vector<16xi32>
        %add3A_354 = arith.addi %mul3A_325, %add3A_353 : vector<16xi32>
        %gather3A_355 = tpu.vector_load_idx %arg5[%add3A_354] : memref<64000xf32, #tpu.memory_space<vmem>>[vector<16xi32>], vector<16xf32>,
        %add3A_356 = arith.constant 256 : i32
        %add3A_357 = arith.addi %add3A_333, %add3A_356 : i32
        %swap3A_358 = arith.constant 0 : i32
        %swap3A_359 = arith.index_cast %swap3A_358 : i32 to index
        %swap3A_360 = arith.index_cast %add3A_357 : i32 to index
        %swap3A_361 = tpu.vector_load %arg7[%swap3A_359, %swap3A_360] {strides = array<i32>} : memref<2x8192xf32, #tpu.memory_space<vmem>>, vector<16xf32>,
        tpu.vector_store %arg7[%swap3A_359, %swap3A_360], %gather3A_355 {strides = array<i32>} : memref<2x8192xf32, #tpu.memory_space<vmem>>, vector<16xf32>,
        %add3A_362 = arith.constant 51 : i32
        %add3A_363 = vector.broadcast %add3A_362 : i32 to vector<16xi32>
        %add3A_364 = arith.addi %mul3A_325, %add3A_363 : vector<16xi32>
        %gather3A_365 = tpu.vector_load_idx %arg5[%add3A_364] : memref<64000xf32, #tpu.memory_space<vmem>>[vector<16xi32>], vector<16xf32>,
        %add3A_366 = arith.constant 384 : i32
        %add3A_367 = arith.addi %add3A_333, %add3A_366 : i32
        %swap3A_368 = arith.constant 0 : i32
        %swap3A_369 = arith.index_cast %swap3A_368 : i32 to index
        %swap3A_370 = arith.index_cast %add3A_367 : i32 to index
        %swap3A_371 = tpu.vector_load %arg7[%swap3A_369, %swap3A_370] {strides = array<i32>} : memref<2x8192xf32, #tpu.memory_space<vmem>>, vector<16xf32>,
        tpu.vector_store %arg7[%swap3A_369, %swap3A_370], %gather3A_365 {strides = array<i32>} : memref<2x8192xf32, #tpu.memory_space<vmem>>, vector<16xf32>,
        %add3A_372 = arith.constant 52 : i32
        %add3A_373 = vector.broadcast %add3A_372 : i32 to vector<16xi32>
        %add3A_374 = arith.addi %mul3A_325, %add3A_373 : vector<16xi32>
        %gather3A_375 = tpu.vector_load_idx %arg5[%add3A_374] : memref<64000xf32, #tpu.memory_space<vmem>>[vector<16xi32>], vector<16xf32>,
        %add3A_376 = arith.constant 512 : i32
        %add3A_377 = arith.addi %add3A_333, %add3A_376 : i32
        %swap3A_378 = arith.constant 0 : i32
        %swap3A_379 = arith.index_cast %swap3A_378 : i32 to index
        %swap3A_380 = arith.index_cast %add3A_377 : i32 to index
        %swap3A_381 = tpu.vector_load %arg7[%swap3A_379, %swap3A_380] {strides = array<i32>} : memref<2x8192xf32, #tpu.memory_space<vmem>>, vector<16xf32>,
        tpu.vector_store %arg7[%swap3A_379, %swap3A_380], %gather3A_375 {strides = array<i32>} : memref<2x8192xf32, #tpu.memory_space<vmem>>, vector<16xf32>,
        %add3A_382 = arith.constant 53 : i32
        %add3A_383 = vector.broadcast %add3A_382 : i32 to vector<16xi32>
        %add3A_384 = arith.addi %mul3A_325, %add3A_383 : vector<16xi32>
        %gather3A_385 = tpu.vector_load_idx %arg5[%add3A_384] : memref<64000xf32, #tpu.memory_space<vmem>>[vector<16xi32>], vector<16xf32>,
        %add3A_386 = arith.constant 640 : i32
        %add3A_387 = arith.addi %add3A_333, %add3A_386 : i32
        %swap3A_388 = arith.constant 0 : i32
        %swap3A_389 = arith.index_cast %swap3A_388 : i32 to index
        %swap3A_390 = arith.index_cast %add3A_387 : i32 to index
        %swap3A_391 = tpu.vector_load %arg7[%swap3A_389, %swap3A_390] {strides = array<i32>} : memref<2x8192xf32, #tpu.memory_space<vmem>>, vector<16xf32>,
        tpu.vector_store %arg7[%swap3A_389, %swap3A_390], %gather3A_385 {strides = array<i32>} : memref<2x8192xf32, #tpu.memory_space<vmem>>, vector<16xf32>,
        %add3A_392 = arith.constant 54 : i32
        %add3A_393 = vector.broadcast %add3A_392 : i32 to vector<16xi32>
        %add3A_394 = arith.addi %mul3A_325, %add3A_393 : vector<16xi32>
        %gather3A_395 = tpu.vector_load_idx %arg5[%add3A_394] : memref<64000xf32, #tpu.memory_space<vmem>>[vector<16xi32>], vector<16xf32>,
        %add3A_396 = arith.constant 768 : i32
        %add3A_397 = arith.addi %add3A_333, %add3A_396 : i32
        %swap3A_398 = arith.constant 0 : i32
        %swap3A_399 = arith.index_cast %swap3A_398 : i32 to index
        %swap3A_400 = arith.index_cast %add3A_397 : i32 to index
        %swap3A_401 = tpu.vector_load %arg7[%swap3A_399, %swap3A_400] {strides = array<i32>} : memref<2x8192xf32, #tpu.memory_space<vmem>>, vector<16xf32>,
        tpu.vector_store %arg7[%swap3A_399, %swap3A_400], %gather3A_395 {strides = array<i32>} : memref<2x8192xf32, #tpu.memory_space<vmem>>, vector<16xf32>,
        %add3A_402 = arith.constant 55 : i32
        %add3A_403 = vector.broadcast %add3A_402 : i32 to vector<16xi32>
        %add3A_404 = arith.addi %mul3A_325, %add3A_403 : vector<16xi32>
        %gather3A_405 = tpu.vector_load_idx %arg5[%add3A_404] : memref<64000xf32, #tpu.memory_space<vmem>>[vector<16xi32>], vector<16xf32>,
        %add3A_406 = arith.constant 896 : i32
        %add3A_407 = arith.addi %add3A_333, %add3A_406 : i32
        %swap3A_408 = arith.constant 0 : i32
        %swap3A_409 = arith.index_cast %swap3A_408 : i32 to index
        %swap3A_410 = arith.index_cast %add3A_407 : i32 to index
        %swap3A_411 = tpu.vector_load %arg7[%swap3A_409, %swap3A_410] {strides = array<i32>} : memref<2x8192xf32, #tpu.memory_space<vmem>>, vector<16xf32>,
        tpu.vector_store %arg7[%swap3A_409, %swap3A_410], %gather3A_405 {strides = array<i32>} : memref<2x8192xf32, #tpu.memory_space<vmem>>, vector<16xf32>,
      }
      %scan3A_268 = arith.constant 64 : i32
      %add3A_269 = arith.constant 196608 : i32
      %add3A_270 = arith.addi %add3A_73, %add3A_269 : i32
      %dma_start3A_271 = arith.constant 0 : i32
      %dma_start3A_272 = arith.constant 0 : i32
      %dma_start3A_273 = arith.constant 0 : i32
      %dma_start3A_274 = tpu.memref_slice %arg7[%dma_start3A_271, %dma_start3A_273] : memref<2x8192xf32, #tpu.memory_space<vmem>> -> memref<1x8192xf32, #tpu.memory_space<vmem>>
      %dma_start3A_275 = tpu.memref_squeeze %dma_start3A_274 : memref<1x8192xf32, #tpu.memory_space<vmem>> -> memref<8192xf32, #tpu.memory_space<vmem>>
      %dma_start3A_276 = tpu.memref_slice %arg4[%add3A_270] : memref<52428800xf32, #tpu.memory_space<hbm>> -> memref<8192xf32, #tpu.memory_space<hbm>>
      %dma_start3A_277 = tpu.memref_slice %arg8[%dma_start3A_272] : memref<2x!tpu.dma_semaphore, #tpu.memory_space<semaphore_mem>> -> memref<1x!tpu.dma_semaphore, #tpu.memory_space<semaphore_mem>>
      %dma_start3A_278 = tpu.memref_squeeze %dma_start3A_277 : memref<1x!tpu.dma_semaphore, #tpu.memory_space<semaphore_mem>> -> memref<!tpu.dma_semaphore, #tpu.memory_space<semaphore_mem>>
      %dma_start3A_279 = tpu.memref_slice %arg4[%add3A_270] : memref<52428800xf32, #tpu.memory_space<hbm>> -> memref<8192xf32, #tpu.memory_space<hbm>>
      %dma_start3A_280 = arith.constant 0 : i32
      %dma_start3A_281 = tpu.memref_slice %arg7[%dma_start3A_271, %dma_start3A_280] : memref<2x8192xf32, #tpu.memory_space<vmem>> -> memref<1x8192xf32, #tpu.memory_space<vmem>>
      %dma_start3A_282 = tpu.memref_squeeze %dma_start3A_281 : memref<1x8192xf32, #tpu.memory_space<vmem>> -> memref<8192xf32, #tpu.memory_space<vmem>>
      tpu.enqueue_dma source(%dma_start3A_282 : memref<8192xf32, #tpu.memory_space<vmem>>) target(%dma_start3A_279 : memref<8192xf32, #tpu.memory_space<hbm>>) target_semaphore(%dma_start3A_278 : memref<!tpu.dma_semaphore, #tpu.memory_space<semaphore_mem>>)
      %dma_wait3A_283 = arith.constant 1 : i32
      %dma_wait3A_284 = arith.constant 1 : i32
      %dma_wait3A_285 = arith.constant 0 : i32
      %dma_wait3A_286 = tpu.memref_slice %arg7[%dma_wait3A_283, %dma_wait3A_285] : memref<2x8192xf32, #tpu.memory_space<vmem>> -> memref<1x8192xf32, #tpu.memory_space<vmem>>
      %dma_wait3A_287 = tpu.memref_squeeze %dma_wait3A_286 : memref<1x8192xf32, #tpu.memory_space<vmem>> -> memref<8192xf32, #tpu.memory_space<vmem>>
      %dma_wait3A_288 = arith.constant 0 : i32
      %dma_wait3A_289 = tpu.memref_slice %arg4[%dma_wait3A_288] : memref<52428800xf32, #tpu.memory_space<hbm>> -> memref<8192xf32, #tpu.memory_space<hbm>>
      %dma_wait3A_290 = tpu.memref_slice %arg8[%dma_wait3A_284] : memref<2x!tpu.dma_semaphore, #tpu.memory_space<semaphore_mem>> -> memref<1x!tpu.dma_semaphore, #tpu.memory_space<semaphore_mem>>
      %dma_wait3A_291 = tpu.memref_squeeze %dma_wait3A_290 : memref<1x!tpu.dma_semaphore, #tpu.memory_space<semaphore_mem>> -> memref<!tpu.dma_semaphore, #tpu.memory_space<semaphore_mem>>
      %dma_wait3A_292 = arith.constant 0 : i32
      %dma_wait3A_293 = tpu.memref_slice %arg7[%dma_wait3A_283, %dma_wait3A_292] : memref<2x8192xf32, #tpu.memory_space<vmem>> -> memref<1x8192xf32, #tpu.memory_space<vmem>>
      %dma_wait3A_294 = tpu.memref_squeeze %dma_wait3A_293 : memref<1x8192xf32, #tpu.memory_space<vmem>> -> memref<8192xf32, #tpu.memory_space<vmem>>
      %dma_wait3A_295 = arith.constant 0 : i32
      %dma_wait3A_296 = tpu.memref_slice %arg4[%dma_wait3A_295] : memref<52428800xf32, #tpu.memory_space<hbm>> -> memref<8192xf32, #tpu.memory_space<hbm>>
      tpu.wait_dma2 semaphore(%dma_wait3A_291 : memref<!tpu.dma_semaphore, #tpu.memory_space<semaphore_mem>>) src(%dma_wait3A_296 : memref<8192xf32, #tpu.memory_space<hbm>>) dst(%dma_wait3A_294 : memref<8192xf32, #tpu.memory_space<vmem>>)
      %scan3A_297 = arith.constant 0 : i32
      %scan3A_298 = arith.constant 64 : i32
      %scan3A_299 = arith.addi %scan3A_297, %scan3A_298 : i32
      %scan3A_300 = arith.constant 1 : i32
      scf.for %scan3A_316 = %scan3A_297 to %scan3A_299 step %scan3A_300  : i32 {
        %mul3A_317 = arith.constant 1024 : i32
        %mul3A_318 = arith.muli %scan3A_36, %mul3A_317 : i32
        %mul3A_319 = arith.constant 16 : i32
        %mul3A_320 = arith.muli %scan3A_316, %mul3A_319 : i32
        %add3A_321 = arith.addi %mul3A_318, %mul3A_320 : i32
        %get3A = arith.index_cast %add3A_321 : i32 to index
        %get3A_322 = tpu.vector_load %arg6[%get3A] {strides = array<i32>} : memref<25600xi32, #tpu.memory_space<vmem>>, vector<16xi32>,
        %mul3A_323 = arith.constant 64 : i32
        %mul3A_324 = vector.broadcast %mul3A_323 : i32 to vector<16xi32>
        %mul3A_325 = arith.muli %get3A_322, %mul3A_324 : vector<16xi32>
        %shift_right_logical3A = arith.constant 3 : i32
        %shift_right_logical3A_326 = arith.shrui %scan3A_316, %shift_right_logical3A : i32
        %mul3A_327 = arith.constant 1024 : i32
        %mul3A_328 = arith.muli %shift_right_logical3A_326, %mul3A_327 : i32
        %and3A_329 = arith.constant 7 : i32
        %and3A_330 = arith.andi %scan3A_316, %and3A_329 : i32
        %mul3A_331 = arith.constant 16 : i32
        %mul3A_332 = arith.muli %and3A_330, %mul3A_331 : i32
        %add3A_333 = arith.addi %mul3A_328, %mul3A_332 : i32
        %add3A_334 = arith.constant 56 : i32
        %add3A_335 = vector.broadcast %add3A_334 : i32 to vector<16xi32>
        %add3A_336 = arith.addi %mul3A_325, %add3A_335 : vector<16xi32>
        %gather3A = tpu.vector_load_idx %arg5[%add3A_336] : memref<64000xf32, #tpu.memory_space<vmem>>[vector<16xi32>], vector<16xf32>,
        %add3A_337 = arith.constant 0 : i32
        %add3A_338 = arith.addi %add3A_333, %add3A_337 : i32
        %swap3A = arith.constant 1 : i32
        %swap3A_339 = arith.index_cast %swap3A : i32 to index
        %swap3A_340 = arith.index_cast %add3A_338 : i32 to index
        %swap3A_341 = tpu.vector_load %arg7[%swap3A_339, %swap3A_340] {strides = array<i32>} : memref<2x8192xf32, #tpu.memory_space<vmem>>, vector<16xf32>,
        tpu.vector_store %arg7[%swap3A_339, %swap3A_340], %gather3A {strides = array<i32>} : memref<2x8192xf32, #tpu.memory_space<vmem>>, vector<16xf32>,
        %add3A_342 = arith.constant 57 : i32
        %add3A_343 = vector.broadcast %add3A_342 : i32 to vector<16xi32>
        %add3A_344 = arith.addi %mul3A_325, %add3A_343 : vector<16xi32>
        %gather3A_345 = tpu.vector_load_idx %arg5[%add3A_344] : memref<64000xf32, #tpu.memory_space<vmem>>[vector<16xi32>], vector<16xf32>,
        %add3A_346 = arith.constant 128 : i32
        %add3A_347 = arith.addi %add3A_333, %add3A_346 : i32
        %swap3A_348 = arith.constant 1 : i32
        %swap3A_349 = arith.index_cast %swap3A_348 : i32 to index
        %swap3A_350 = arith.index_cast %add3A_347 : i32 to index
        %swap3A_351 = tpu.vector_load %arg7[%swap3A_349, %swap3A_350] {strides = array<i32>} : memref<2x8192xf32, #tpu.memory_space<vmem>>, vector<16xf32>,
        tpu.vector_store %arg7[%swap3A_349, %swap3A_350], %gather3A_345 {strides = array<i32>} : memref<2x8192xf32, #tpu.memory_space<vmem>>, vector<16xf32>,
        %add3A_352 = arith.constant 58 : i32
        %add3A_353 = vector.broadcast %add3A_352 : i32 to vector<16xi32>
        %add3A_354 = arith.addi %mul3A_325, %add3A_353 : vector<16xi32>
        %gather3A_355 = tpu.vector_load_idx %arg5[%add3A_354] : memref<64000xf32, #tpu.memory_space<vmem>>[vector<16xi32>], vector<16xf32>,
        %add3A_356 = arith.constant 256 : i32
        %add3A_357 = arith.addi %add3A_333, %add3A_356 : i32
        %swap3A_358 = arith.constant 1 : i32
        %swap3A_359 = arith.index_cast %swap3A_358 : i32 to index
        %swap3A_360 = arith.index_cast %add3A_357 : i32 to index
        %swap3A_361 = tpu.vector_load %arg7[%swap3A_359, %swap3A_360] {strides = array<i32>} : memref<2x8192xf32, #tpu.memory_space<vmem>>, vector<16xf32>,
        tpu.vector_store %arg7[%swap3A_359, %swap3A_360], %gather3A_355 {strides = array<i32>} : memref<2x8192xf32, #tpu.memory_space<vmem>>, vector<16xf32>,
        %add3A_362 = arith.constant 59 : i32
        %add3A_363 = vector.broadcast %add3A_362 : i32 to vector<16xi32>
        %add3A_364 = arith.addi %mul3A_325, %add3A_363 : vector<16xi32>
        %gather3A_365 = tpu.vector_load_idx %arg5[%add3A_364] : memref<64000xf32, #tpu.memory_space<vmem>>[vector<16xi32>], vector<16xf32>,
        %add3A_366 = arith.constant 384 : i32
        %add3A_367 = arith.addi %add3A_333, %add3A_366 : i32
        %swap3A_368 = arith.constant 1 : i32
        %swap3A_369 = arith.index_cast %swap3A_368 : i32 to index
        %swap3A_370 = arith.index_cast %add3A_367 : i32 to index
        %swap3A_371 = tpu.vector_load %arg7[%swap3A_369, %swap3A_370] {strides = array<i32>} : memref<2x8192xf32, #tpu.memory_space<vmem>>, vector<16xf32>,
        tpu.vector_store %arg7[%swap3A_369, %swap3A_370], %gather3A_365 {strides = array<i32>} : memref<2x8192xf32, #tpu.memory_space<vmem>>, vector<16xf32>,
        %add3A_372 = arith.constant 60 : i32
        %add3A_373 = vector.broadcast %add3A_372 : i32 to vector<16xi32>
        %add3A_374 = arith.addi %mul3A_325, %add3A_373 : vector<16xi32>
        %gather3A_375 = tpu.vector_load_idx %arg5[%add3A_374] : memref<64000xf32, #tpu.memory_space<vmem>>[vector<16xi32>], vector<16xf32>,
        %add3A_376 = arith.constant 512 : i32
        %add3A_377 = arith.addi %add3A_333, %add3A_376 : i32
        %swap3A_378 = arith.constant 1 : i32
        %swap3A_379 = arith.index_cast %swap3A_378 : i32 to index
        %swap3A_380 = arith.index_cast %add3A_377 : i32 to index
        %swap3A_381 = tpu.vector_load %arg7[%swap3A_379, %swap3A_380] {strides = array<i32>} : memref<2x8192xf32, #tpu.memory_space<vmem>>, vector<16xf32>,
        tpu.vector_store %arg7[%swap3A_379, %swap3A_380], %gather3A_375 {strides = array<i32>} : memref<2x8192xf32, #tpu.memory_space<vmem>>, vector<16xf32>,
        %add3A_382 = arith.constant 61 : i32
        %add3A_383 = vector.broadcast %add3A_382 : i32 to vector<16xi32>
        %add3A_384 = arith.addi %mul3A_325, %add3A_383 : vector<16xi32>
        %gather3A_385 = tpu.vector_load_idx %arg5[%add3A_384] : memref<64000xf32, #tpu.memory_space<vmem>>[vector<16xi32>], vector<16xf32>,
        %add3A_386 = arith.constant 640 : i32
        %add3A_387 = arith.addi %add3A_333, %add3A_386 : i32
        %swap3A_388 = arith.constant 1 : i32
        %swap3A_389 = arith.index_cast %swap3A_388 : i32 to index
        %swap3A_390 = arith.index_cast %add3A_387 : i32 to index
        %swap3A_391 = tpu.vector_load %arg7[%swap3A_389, %swap3A_390] {strides = array<i32>} : memref<2x8192xf32, #tpu.memory_space<vmem>>, vector<16xf32>,
        tpu.vector_store %arg7[%swap3A_389, %swap3A_390], %gather3A_385 {strides = array<i32>} : memref<2x8192xf32, #tpu.memory_space<vmem>>, vector<16xf32>,
        %add3A_392 = arith.constant 62 : i32
        %add3A_393 = vector.broadcast %add3A_392 : i32 to vector<16xi32>
        %add3A_394 = arith.addi %mul3A_325, %add3A_393 : vector<16xi32>
        %gather3A_395 = tpu.vector_load_idx %arg5[%add3A_394] : memref<64000xf32, #tpu.memory_space<vmem>>[vector<16xi32>], vector<16xf32>,
        %add3A_396 = arith.constant 768 : i32
        %add3A_397 = arith.addi %add3A_333, %add3A_396 : i32
        %swap3A_398 = arith.constant 1 : i32
        %swap3A_399 = arith.index_cast %swap3A_398 : i32 to index
        %swap3A_400 = arith.index_cast %add3A_397 : i32 to index
        %swap3A_401 = tpu.vector_load %arg7[%swap3A_399, %swap3A_400] {strides = array<i32>} : memref<2x8192xf32, #tpu.memory_space<vmem>>, vector<16xf32>,
        tpu.vector_store %arg7[%swap3A_399, %swap3A_400], %gather3A_395 {strides = array<i32>} : memref<2x8192xf32, #tpu.memory_space<vmem>>, vector<16xf32>,
        %add3A_402 = arith.constant 63 : i32
        %add3A_403 = vector.broadcast %add3A_402 : i32 to vector<16xi32>
        %add3A_404 = arith.addi %mul3A_325, %add3A_403 : vector<16xi32>
        %gather3A_405 = tpu.vector_load_idx %arg5[%add3A_404] : memref<64000xf32, #tpu.memory_space<vmem>>[vector<16xi32>], vector<16xf32>,
        %add3A_406 = arith.constant 896 : i32
        %add3A_407 = arith.addi %add3A_333, %add3A_406 : i32
        %swap3A_408 = arith.constant 1 : i32
        %swap3A_409 = arith.index_cast %swap3A_408 : i32 to index
        %swap3A_410 = arith.index_cast %add3A_407 : i32 to index
        %swap3A_411 = tpu.vector_load %arg7[%swap3A_409, %swap3A_410] {strides = array<i32>} : memref<2x8192xf32, #tpu.memory_space<vmem>>, vector<16xf32>,
        tpu.vector_store %arg7[%swap3A_409, %swap3A_410], %gather3A_405 {strides = array<i32>} : memref<2x8192xf32, #tpu.memory_space<vmem>>, vector<16xf32>,
      }
      %scan3A_301 = arith.constant 64 : i32
      %add3A_302 = arith.constant 229376 : i32
      %add3A_303 = arith.addi %add3A_73, %add3A_302 : i32
      %dma_start3A_304 = arith.constant 1 : i32
      %dma_start3A_305 = arith.constant 1 : i32
      %dma_start3A_306 = arith.constant 0 : i32
      %dma_start3A_307 = tpu.memref_slice %arg7[%dma_start3A_304, %dma_start3A_306] : memref<2x8192xf32, #tpu.memory_space<vmem>> -> memref<1x8192xf32, #tpu.memory_space<vmem>>
      %dma_start3A_308 = tpu.memref_squeeze %dma_start3A_307 : memref<1x8192xf32, #tpu.memory_space<vmem>> -> memref<8192xf32, #tpu.memory_space<vmem>>
      %dma_start3A_309 = tpu.memref_slice %arg4[%add3A_303] : memref<52428800xf32, #tpu.memory_space<hbm>> -> memref<8192xf32, #tpu.memory_space<hbm>>
      %dma_start3A_310 = tpu.memref_slice %arg8[%dma_start3A_305] : memref<2x!tpu.dma_semaphore, #tpu.memory_space<semaphore_mem>> -> memref<1x!tpu.dma_semaphore, #tpu.memory_space<semaphore_mem>>
      %dma_start3A_311 = tpu.memref_squeeze %dma_start3A_310 : memref<1x!tpu.dma_semaphore, #tpu.memory_space<semaphore_mem>> -> memref<!tpu.dma_semaphore, #tpu.memory_space<semaphore_mem>>
      %dma_start3A_312 = tpu.memref_slice %arg4[%add3A_303] : memref<52428800xf32, #tpu.memory_space<hbm>> -> memref<8192xf32, #tpu.memory_space<hbm>>
      %dma_start3A_313 = arith.constant 0 : i32
      %dma_start3A_314 = tpu.memref_slice %arg7[%dma_start3A_304, %dma_start3A_313] : memref<2x8192xf32, #tpu.memory_space<vmem>> -> memref<1x8192xf32, #tpu.memory_space<vmem>>
      %dma_start3A_315 = tpu.memref_squeeze %dma_start3A_314 : memref<1x8192xf32, #tpu.memory_space<vmem>> -> memref<8192xf32, #tpu.memory_space<vmem>>
      tpu.enqueue_dma source(%dma_start3A_315 : memref<8192xf32, #tpu.memory_space<vmem>>) target(%dma_start3A_312 : memref<8192xf32, #tpu.memory_space<hbm>>) target_semaphore(%dma_start3A_311 : memref<!tpu.dma_semaphore, #tpu.memory_space<semaphore_mem>>)
    }
    %scan3A_8 = arith.constant 25 : i32
    %dma_wait3A = arith.constant 0 : i32
    %dma_wait3A_9 = arith.constant 0 : i32
    %dma_wait3A_10 = arith.constant 0 : i32
    %dma_wait3A_11 = tpu.memref_slice %arg7[%dma_wait3A, %dma_wait3A_10] : memref<2x8192xf32, #tpu.memory_space<vmem>> -> memref<1x8192xf32, #tpu.memory_space<vmem>>
    %dma_wait3A_12 = tpu.memref_squeeze %dma_wait3A_11 : memref<1x8192xf32, #tpu.memory_space<vmem>> -> memref<8192xf32, #tpu.memory_space<vmem>>
    %dma_wait3A_13 = arith.constant 0 : i32
    %dma_wait3A_14 = tpu.memref_slice %arg4[%dma_wait3A_13] : memref<52428800xf32, #tpu.memory_space<hbm>> -> memref<8192xf32, #tpu.memory_space<hbm>>
    %dma_wait3A_15 = tpu.memref_slice %arg8[%dma_wait3A_9] : memref<2x!tpu.dma_semaphore, #tpu.memory_space<semaphore_mem>> -> memref<1x!tpu.dma_semaphore, #tpu.memory_space<semaphore_mem>>
    %dma_wait3A_16 = tpu.memref_squeeze %dma_wait3A_15 : memref<1x!tpu.dma_semaphore, #tpu.memory_space<semaphore_mem>> -> memref<!tpu.dma_semaphore, #tpu.memory_space<semaphore_mem>>
    %dma_wait3A_17 = arith.constant 0 : i32
    %dma_wait3A_18 = tpu.memref_slice %arg7[%dma_wait3A, %dma_wait3A_17] : memref<2x8192xf32, #tpu.memory_space<vmem>> -> memref<1x8192xf32, #tpu.memory_space<vmem>>
    %dma_wait3A_19 = tpu.memref_squeeze %dma_wait3A_18 : memref<1x8192xf32, #tpu.memory_space<vmem>> -> memref<8192xf32, #tpu.memory_space<vmem>>
    %dma_wait3A_20 = arith.constant 0 : i32
    %dma_wait3A_21 = tpu.memref_slice %arg4[%dma_wait3A_20] : memref<52428800xf32, #tpu.memory_space<hbm>> -> memref<8192xf32, #tpu.memory_space<hbm>>
    tpu.wait_dma2 semaphore(%dma_wait3A_16 : memref<!tpu.dma_semaphore, #tpu.memory_space<semaphore_mem>>) src(%dma_wait3A_21 : memref<8192xf32, #tpu.memory_space<hbm>>) dst(%dma_wait3A_19 : memref<8192xf32, #tpu.memory_space<vmem>>)
    %dma_wait3A_22 = arith.constant 1 : i32
    %dma_wait3A_23 = arith.constant 1 : i32
    %dma_wait3A_24 = arith.constant 0 : i32
    %dma_wait3A_25 = tpu.memref_slice %arg7[%dma_wait3A_22, %dma_wait3A_24] : memref<2x8192xf32, #tpu.memory_space<vmem>> -> memref<1x8192xf32, #tpu.memory_space<vmem>>
    %dma_wait3A_26 = tpu.memref_squeeze %dma_wait3A_25 : memref<1x8192xf32, #tpu.memory_space<vmem>> -> memref<8192xf32, #tpu.memory_space<vmem>>
    %dma_wait3A_27 = arith.constant 0 : i32
    %dma_wait3A_28 = tpu.memref_slice %arg4[%dma_wait3A_27] : memref<52428800xf32, #tpu.memory_space<hbm>> -> memref<8192xf32, #tpu.memory_space<hbm>>
    %dma_wait3A_29 = tpu.memref_slice %arg8[%dma_wait3A_23] : memref<2x!tpu.dma_semaphore, #tpu.memory_space<semaphore_mem>> -> memref<1x!tpu.dma_semaphore, #tpu.memory_space<semaphore_mem>>
    %dma_wait3A_30 = tpu.memref_squeeze %dma_wait3A_29 : memref<1x!tpu.dma_semaphore, #tpu.memory_space<semaphore_mem>> -> memref<!tpu.dma_semaphore, #tpu.memory_space<semaphore_mem>>
    %dma_wait3A_31 = arith.constant 0 : i32
    %dma_wait3A_32 = tpu.memref_slice %arg7[%dma_wait3A_22, %dma_wait3A_31] : memref<2x8192xf32, #tpu.memory_space<vmem>> -> memref<1x8192xf32, #tpu.memory_space<vmem>>
    %dma_wait3A_33 = tpu.memref_squeeze %dma_wait3A_32 : memref<1x8192xf32, #tpu.memory_space<vmem>> -> memref<8192xf32, #tpu.memory_space<vmem>>
    %dma_wait3A_34 = arith.constant 0 : i32
    %dma_wait3A_35 = tpu.memref_slice %arg4[%dma_wait3A_34] : memref<52428800xf32, #tpu.memory_space<hbm>> -> memref<8192xf32, #tpu.memory_space<hbm>>
    tpu.wait_dma2 semaphore(%dma_wait3A_30 : memref<!tpu.dma_semaphore, #tpu.memory_space<semaphore_mem>>) src(%dma_wait3A_35 : memref<8192xf32, #tpu.memory_space<hbm>>) dst(%dma_wait3A_33 : memref<8192xf32, #tpu.memory_space<vmem>>)
    return
  }
}

module attributes {stable_mosaic.version = 14 : i64} {
  func.func @_bias_body(%arg0: memref<1000x64xf32, #tpu.memory_space<vmem>>, %arg1: memref<1x64xf32, #tpu.memory_space<vmem>>, %arg2: memref<1000x64xf32, #tpu.memory_space<vmem>>) attributes {dimension_semantics = [], scalar_prefetch = 0 : i64, scratch_operands = 0 : i64, tpu.core_type = #tpu.core_type<tc>} {
    %get3A = arith.constant 0 : index
    %get3A_0 = arith.constant 0 : index
    %get3A_1 = vector.load %arg0[%get3A, %get3A_0] : memref<1000x64xf32, #tpu.memory_space<vmem>>, vector<1000x64xf32>
    %get3A_2 = arith.constant 0 : index
    %get3A_3 = arith.constant 0 : index
    %get3A_4 = vector.load %arg1[%get3A_2, %get3A_3] : memref<1x64xf32, #tpu.memory_space<vmem>>, vector<1x64xf32>
    %add3A = vector.broadcast %get3A_4 : vector<1x64xf32> to vector<1000x64xf32>
    %add3A_5 = arith.addf %get3A_1, %add3A : vector<1000x64xf32>
    %swap3A = arith.constant 0 : index
    %swap3A_6 = arith.constant 0 : index
    %swap3A_7 = vector.load %arg2[%swap3A, %swap3A_6] : memref<1000x64xf32, #tpu.memory_space<vmem>>, vector<1000x64xf32>
    tpu.vector_store %arg2[%swap3A, %swap3A_6], %add3A_5 {strides = array<i32>} : memref<1000x64xf32, #tpu.memory_space<vmem>>, vector<1000x64xf32>,
    return
  }
}

</mosaic_0001>

<sc_bundles>
// kernel: kernel.4.cloned.1.call-start
scs
__scs_entry_jumppad:
0x0: {  	(pc) =	sbr.rel $0x88, $3  }
0x1: {  	(tag) =	ssettag $0x0;
	lr =	simm.s32 $0x1  }
0x2: {  	[smem:$0x3F9E] =	sst lr;
	_ =	strace $0xD0000000  }
0x3: {  	_ = 	snop  }
0x4: {  	_ = 	snop  }
0x5: {  	_ = 	snop  }
0x6: {  	_ = 	snop  }
0x7: {  	_ = 	snop  }
__scs_overlays_trampoline_lowered:
0x8: {  	[smem:$0x3FAD] =	sst s0  }
0x9: {  	[smem:$0x3FAE] =	sst s1  }
0xa: {  	[smem:$0x3FAF] =	sst s2  }
0xb: {  	[smem:$0x3FB0] =	sst s3  }
0xc: {  	[smem:$0x3FB1] =	sst s4  }
0xd: {  	[smem:$0x3FB2] =	sst s5  }
0xe: {  	[smem:$0x3FB3] =	sst s6  }
0xf: {  	[smem:$0x3FB4] =	sst s7  }
0x10: {  	[smem:$0x3FB5] =	sst s8  }
0x11: {  	[smem:$0x3FB6] =	sst s9;
	s0 =	simm.s32 @!p0 $0x0  }
0x12: {  	s1 =	sld [smem:$0x3F9C];
	s0 =	simm.s32 @p0 $0x1  }
0x13: {  	[smem:$0x3FB7] =	sst s0;
	s0 =	simm.s32 @!p1 $0x0  }
0x14: {  	s2 =	sld [smem:$0x3F9B];
	s0 =	simm.s32 @p1 $0x1  }
0x15: {  	[smem:$0x3FB8] =	sst s0;
	s0 =	simm.s32 @!p2 $0x0  }
0x16: {  	s3 =	sld [smem:$0x3FDB];
	s0 =	simm.s32 @p2 $0x1  }
0x17: {  	s4 =	simm.s32 $0x1BF5;
	[smem:$0x3FBA] =	sst s0  }
0x18: {  	s0 =	sld [smem:$0x3F9D];
	_ =	swait.ge [sflag:s4], $0x0  }
0x19: {  	s7 =	sld [smem:$0x3F9E]  }
0x1a: {  	s8 =	sadd.s32 $0xFFFFE003, lr  }
0x1b: {  	s9 =	sadd.s32 $0xFFFFFEF7, lr;
	s5 =	simm.s32 $0xFFFFFFFF;
	p2 =	slt.u32 s8, $0xFFFFF086  }
0x1c: {  	p1 =	slt.u32 s9, $0xF7A;
	s5 =	simm.s32 @!p2 $0x0  }
0x1d: {  	s5 =	simm.s32 @p1 $0x1;
	p0 =	seq.s32 s7, s2  }
0x1e: {  	s7 =	smul.u32 @!p0 $0xF7A, s2;
	p2 =	seq.s32 @!p0 s5, $0x0  }
0x1f: {  	s9 =	smul.u32 $0xF7A, s1;
	s8 =	simm.s32 @!p0 $0x1BF5;
	p2 =	por !p2, p0  }
0x20: {  	[sflag:s8] =	ssyncset.s32 @!p0 $0xFFFFF086;
	s6 =	sadd.s32 @!p0 s3, s7;
	s7 =	simm.s32 @!p0 $0x108  }
0x21: {  	s3 =	sadd.s32 s3, s9;
	s6 =	sadd.s32 @!p0 $0x88, s6;
	s7 =	simm.s32 @p2 $0x1082  }
0x22: {  	[simem:s7], [sflag:s8] =	dma.local @!p0 [hbm:s6], $0xF7A  }
0x23: {  	s9 =	sor.u32 $0xD0000000, s2;
	s6 =	simm.s32 $0x108;
	_ =	swait.ge @!p0 [sflag:s8], $0x0  }
0x24: {  	s3 =	sadd.s32 $0x88, s3;
	s6 =	simm.s32 @!p1 $0x1082;
	[sflag:s4] =	ssyncset.s32 $0xFFFFF086  }
0x25: {  	[simem:s6], [sflag:s4] =	dma.local [hbm:s3], $0xF7A  }
0x26: {  	[smem:$0x3F9E] =	sst s1;
	(tag) =	ssettag s2;
	_ =	strace s9  }
0x27: {  	s1 =	sld [smem:$0x3FAE]  }
0x28: {  	s2 =	sld [smem:$0x3FAF]  }
0x29: {  	s4 =	sld [smem:$0x3FB1]  }
0x2a: {  	p0 =	seq.s32 s5, $0x0;
	s5 =	sld [smem:$0x3FB2]  }
0x2b: {  	s6 =	sld [smem:$0x3FB3]  }
0x2c: {  	s7 =	sld [smem:$0x3FB4]  }
0x2d: {  	s3 =	simm.s32 $0x108;
	s8 =	sld [smem:$0x3FB5]  }
0x2e: {  	s3 =	simm.s32 @!p0 $0x1082;
	s9 =	sld [smem:$0x3FB6]  }
0x2f: {  	lr =	sadd.s32 s0, s3;
	s0 =	sld [smem:$0x3FAD]  }
0x30: {  	s3 =	sld [smem:$0x3FB0]  }
0x31: {  	[smem:$0x3FB9] =	sst s10  }
0x32: {  	s10 =	sld [smem:$0x3FB7];
	_ =	sdelay $0x3  }
0x33: {  	p0 =	seq.s32 s10, $0x1;
	s10 =	sld [smem:$0x3FB9];
	_ =	sdelay $0x3  }
0x34: {  	[smem:$0x3FB9] =	sst s10  }
0x35: {  	s10 =	sld [smem:$0x3FB8];
	_ =	sdelay $0x3  }
0x36: {  	p1 =	seq.s32 s10, $0x1;
	s10 =	sld [smem:$0x3FB9];
	_ =	sdelay $0x3  }
0x37: {  	[smem:$0x3FB9] =	sst s10  }
0x38: {  	s10 =	sld [smem:$0x3FBA]  }
0x39: {  	_ = 	snop;
	(pc) =	sbr.ind lr, $3  }
0x3a: {  	_ = 	snop  }
0x3b: {  	_ = 	snop  }
0x3c: {  	p2 =	seq.s32 s10, $0x1;
	s10 =	sld [smem:$0x3FB9]  }
0x3d: {  	_ =	shalt  }
0x3e: {  	_ =	shalt  }
0x3f: {  	_ =	shalt  }
0x40: {  	_ =	shalt  }
0x41: {  	_ =	shalt  }
0x42: {  	_ =	shalt  }
0x43: {  	_ =	shalt  }
0x44: {  	_ =	shalt  }
0x45: {  	_ =	shalt  }
0x46: {  	_ =	shalt  }
0x47: {  	_ =	shalt  }
0x48: {  	_ =	shalt  }
0x49: {  	_ =	shalt  }
0x4a: {  	_ =	shalt  }
0x4b: {  	_ =	shalt  }
0x4c: {  	_ =	shalt  }
0x4d: {  	_ =	shalt  }
0x4e: {  	_ =	shalt  }
0x4f: {  	_ =	shalt  }
0x50: {  	_ =	shalt  }
0x51: {  	_ =	shalt  }
0x52: {  	_ =	shalt  }
0x53: {  	_ =	shalt  }
0x54: {  	_ =	shalt  }
0x55: {  	_ =	shalt  }
0x56: {  	_ =	shalt  }
0x57: {  	_ =	shalt  }
0x58: {  	_ =	shalt  }
0x59: {  	_ =	shalt  }
0x5a: {  	_ =	shalt  }
0x5b: {  	_ =	shalt  }
0x5c: {  	_ =	shalt  }
0x5d: {  	_ =	shalt  }
0x5e: {  	_ =	shalt  }
0x5f: {  	_ =	shalt  }
0x60: {  	_ =	shalt  }
0x61: {  	_ =	shalt  }
0x62: {  	_ =	shalt  }
0x63: {  	_ =	shalt  }
0x64: {  	_ =	shalt  }
0x65: {  	_ =	shalt  }
0x66: {  	_ =	shalt  }
0x67: {  	_ =	shalt  }
0x68: {  	_ =	shalt  }
0x69: {  	_ =	shalt  }
0x6a: {  	_ =	shalt  }
0x6b: {  	_ =	shalt  }
0x6c: {  	_ =	shalt  }
0x6d: {  	_ =	shalt  }
0x6e: {  	_ =	shalt  }
0x6f: {  	_ =	shalt  }
0x70: {  	_ =	shalt  }
0x71: {  	_ =	shalt  }
0x72: {  	_ =	shalt  }
0x73: {  	_ =	shalt  }
0x74: {  	_ =	shalt  }
0x75: {  	_ =	shalt  }
0x76: {  	_ =	shalt  }
0x77: {  	_ =	shalt  }
0x78: {  	_ =	shalt  }
0x79: {  	_ =	shalt  }
0x7a: {  	_ =	shalt  }
0x7b: {  	_ =	shalt  }
0x7c: {  	_ =	shalt  }
0x7d: {  	_ =	shalt  }
0x7e: {  	_ =	shalt  }
0x7f: {  	_ =	shalt  }
0x80: {  	_ =	shalt  }
0x81: {  	_ =	shalt  }
0x82: {  	_ =	shalt  }
0x83: {  	_ =	shalt  }
0x84: {  	_ =	shalt  }
0x85: {  	_ =	shalt  }
0x86: {  	_ =	shalt  }
0x87: {  	_ =	shalt  }
.Lfunc_end0:
.L_simem_size_0:
called_computation_lowered:
.L_overlay_start_0:
0x88: {  	s2 =	sld [smem:$0x3FD9]  }
0x89: {  	s3 =	sld [smem:$0x3FFE];
	_ =	sdelay $0x1  }
0x8a: {  	s1 =	srdreg.scid  }
0x8b: {  	s0 =	sand.u32 $0x1, s1  }
0x8c: {  	s17 =	sshll.u32 s0, $0xA;
	s2 =	sadd.s32 s3, s2  }
0x8d: {  	s2 =	sadd.s32 s2, s17  }
0x8e: {  	[smem:$0x3FC5] =	sst s2  }
0x8f: {  	_ = 	snop  }
0x90: {  	s2 =	sld [smem:$0x3FD0];
	(tm) =	ssettm $0x1  }
0x91: {  	s18 =	sld [smem:$0x3FFB];
	_ =	sdelay $0x3  }
0x92: {  	_ =	strace s18  }
0x93: {  	s3 =	sld [smem:$0x3FFC];
	_ =	sdelay $0x3  }
0x94: {  	_ =	strace s3  }
0x95: {  	s3 =	sld [smem:$0x3FFD];
	_ =	sdelay $0x3  }
0x96: {  	_ =	strace s3  }
0x97: {  	_ =	strace $0x8FFFFFFF  }
0x98: {  	s19 =	sld [smem:$0x3FDB];
	_ =	sdelay $0x1  }
0x99: {  	s4 =	simm.s32 $_scs_section_size  }
0x9a: {  	s5 =	simm.s32 $_size__tile_overlayer_lowered;
	s6 =	simm.s32 $_tile_overlayer_lowered  }
0x9b: {  	s22 =	simm.s32 $0x1BFF;
	s21 =	sshll.u32 s6, $0x1;
	s3 =	sadd.s32 s4, s19  }
0x9c: {  	s7 =	simm.s32 $0x0;
	s20 =	sshll.u32 s5, $0x1;
	s5 =	sadd.s32 s21, s3  }
0x9d: {  	[timem:s7], [sflag:s22] =	dma.local [hbm:s5], s20  }
0x9e: {  	_ =	swait.ge [sflag:s22], s20  }
0x9f: {  	s4 =	ssub.s32 $0x0, s20;
	[sflag:s22] =	ssyncset.done $0x0  }
0xa0: {  	[sflag:s22] =	ssyncadd.s32 s4;
	_ =	sdelay $0x1  }
0xa1: {  	s23 =	simm.s32 $0x1B8B  }
0xa2: {  	_ =	swait.ge [sflag:s23], $0x1  }
0xa3: {  	[sflag:s23] =	ssyncset.done $0x0  }
0xa4: {  	s25 =	simm.s32 $0x1B8E;
	s24 =	sld [smem:$0x3FFE];
	[sflag:s23] =	ssyncadd.s32 $0xFFFFFFFF  }
0xa5: {  	s26 =	simm.s32 $execute0_lowered;
	[smem:$0x3FD2] =	sst s25  }
0xa6: {  	s5 =	sshll.u32 s26, $0x1;
	_ =	strace $0x80000046;
	[dreg:$0x1] =	wrdreg $0xFFFFFFFF  }
0xa7: {  	s28 =	simm.s32 $_size_execute0_lowered;
	s3 =	sadd.s32 s3, s5;
	[dreg:$0x0] =	wrdreg $0x0  }
0xa8: {  	s5 =	sshll.u32 s28, $0x1;
	[dreg:$0x2] =	wrdreg s3  }
0xa9: {  	[dreg:$0x3] =	wrdreg s5  }
0xaa: {  	[dreg:$0x4] =	wrdreg $0xC0  }
0xab: {  	_ =	task [dreg:s7], $0x5FFFF  }
0xac: {  	[dreg:$0x1] =	wrdreg $0xFFFFFFFF  }
0xad: {  	[dreg:$0x0] =	wrdreg $0x60  }
0xae: {  	[dreg:$0x2] =	wrdreg s24  }
0xaf: {  	[dreg:$0x3] =	wrdreg s2  }
0xb0: {  	[dreg:$0x4] =	wrdreg $0x9  }
0xb1: {  	_ =	task.clear_ibuf [dreg:s7], $0x5FFFF;
	_ =	strace $0x90000046  }
0xb2: {  	s29 =	simm.s32 $0x9;
	_ =	strace $0x80000048  }
0xb3: {  	_ =	swait.ge [sflag:s29], $0x1  }
0xb4: {  	[sflag:s29] =	ssyncadd.s32 $0xFFFFFFFF  }
0xb5: {  	_ =	strace $0x90000048  }
0xb6: {  	_ =	sfence  }
0xb7: {  	s30 =	sld [smem:$0x0];
	_ =	sdelay $0x2  }
0xb8: {  	s31 =	sshll.u32 s1, $0xD;
	s1 =	sshrl.u32 s1, $0x2  }
0xb9: {  	s3 =	sand.u32 $0x4000, s31;
	s1 =	sadd.s32 s1, s30  }
0xba: {  	s0 =	sor.u32 s3, s0;
	s1 =	sshll.u32 s1, $0x11  }
0xbb: {  	s0 =	sor.u32 s1, s0  }
0xbc: {  	s0 =	sadd.s32 $0x8F2B, s0  }
0xbd: {  	[sflag:s0] =	ssyncadd.remote.s32 $0x1  }
0xbe: {  	_ =	sfence.sel $0xFFFF  }
0xbf: {  	[dreg:$0x0] =	wrdreg $0xFFFFFFFF;
	(pc) =	sbr.abs _section_cstart, $3  }
0xc0: {  	[dreg:$0x1] =	wrdreg $0xFFFFFFFF  }
0xc1: {  	_ =	task.clear_ibuf [dreg:s7], $0x2FFFF;
	_ =	strace $0x9FFFFFFF  }
0xc2: {  	(tm) =	ssettm $0x7FFFFFFF  }
0xc3: {  	_ =	shalt  }
tec
execute0_lowered:
.L_overlay_start_1:
0x0: {  	(tag) =	ssettag $0x1  }
0x1: {  	s5 =	rddreg [dreg:$0x0]  }
0x2: {  	s1 =	srdreg.scid;
	s0 =	stileid.u32  }
0x3: {  	s2 =	rddreg [dreg:$0x1];
	s3 =	simm.s32 $0x0;
	s15 =	simm.s32 $0x3  }
0x4: {  	s16 =	simm.s32 $0x15E00;
	s17 =	simm.s32 $0x17E00;
	s18 =	simm.s32 $0x1  }
0x5: {  	s19 =	simm.s32 $0x2;
	s4 =	sand.u32 $0x1, s1;
	s1 =	rddreg [dreg:$0x2]  }
0x6: {  	s20 =	simm.s32 $0x0;
	s6 =	sshll.u32 s0, $0x1;
	[smem:$0x7FF] =	sst s3  }
0x7: {  	s10 =	sadd.s32 $0x4000, s2;
	s11 =	sadd.s32 $0x5000, s2;
	s12 =	sadd.s32 $0x6000, s2  }
0x8: {  	s13 =	sadd.s32 $0x7000, s2;
	s6 =	sor.u32 s4, s6;
	s8 =	ssub.s32 $0x2, s4  }
0x9: {  	_ =	strace $0x80000047;
	s7 =	smul.u32 $0xC80, s6;
	s9 =	sshrl.u32 s8, $0x1  }
0xa: {  	s4 =	sadd.s32 $0x600, s5;
	s14 =	ssub.s32 s8, s9;
	s8 =	sadd.s32 $0x2000, s2  }
0xb: {  	s9 =	sadd.s32 $0x3000, s2;
	s7 =	sadd.s32 s7, s5;
	s5 =	smul.u32 $0x19, s6  }
0xc: {  	s14 =	smax.u32 s14, $0x1;
	s6 =	sadd.s32 $0x2600, s7;
	s7 =	sadd.s32 $0x1000, s2  }
.LBB2_1:
0xd: {  	[tilespmem:s3], [sflag:$0x3] =	stream.linear.gather [hbm4b:s4+s3], $0xFA00, $0x38;
	[tilespmem:$0x19E00] =	vst v63  }
0xe: {  	_ =	swait.ge [sflag:s15], $0xFA00  }
0xf: {  	[sflag:s15] =	ssyncset.done $0x0  }
0x10: {  	s21 =	simm.s32 $0xFA00;
	[sflag:s15] =	ssyncadd.s32 $0xFFFF0600  }
0x11: {  	[tilespmem:s21], [sflag:$0x3] =	stream.linear.gather [hbm4b:s6+s3], $0x6400, $0x38;
	[tilespmem:$0x19E00] =	vst v63  }
0x12: {  	_ =	swait.ge [sflag:s15], $0x6400  }
0x13: {  	[sflag:s15] =	ssyncset.done $0x0  }
0x14: {  	s22 =	simm.s32 $0x0;
	[sflag:s15] =	ssyncadd.s32 $0xFFFF9C00  }
.LBB2_2:
0x15: {  	p0 =	seq.s32 s22, $0x0  }
0x16: {  	s23 =	simm.s32 @!p0 $0x1  }
0x17: {  	_ =	swait.ge @!p0 [sflag:s23], $0x2000  }
0x18: {  	[sflag:s23] =	ssyncset.done @!p0 $0x0  }
0x19: {  	[sflag:s23] =	ssyncadd.s32 @!p0 $0xFFFFE000  }
0x1a: {  	v0 =	vld [tilespmem:s21+$0x0];
	_ =	sdelay $0x4  }
0x1b: {  	v0 =	vshll.u32 v0, $0x6;
	_ =	sdelay $0x4  }
0x1c: {  	v1 =	vld.idx.msk [tilespmem:v0+s3+$0x0], $0xffff  }
0x1d: {  	v2 =	vor.u32 $0x1, v0  }
0x1e: {  	s24 =	simm.s32 $0x0  }
0x1f: {  	s29 =	sand.u32 $0x1C00, s24;
	s25 =	sand.u32 $0x70, s24  }
0x20: {  	s23 =	sor.u32 s25, s29  }
0x21: {  	[tilespmem:s23+$0x15E00] =	vst v1  }
0x22: {  	v1 =	vld.idx.msk [tilespmem:v2+s3+$0x0], $0xffff  }
0x23: {  	v2 =	vor.u32 $0x2, v0;
	_ =	sdelay $0x2  }
0x24: {  	s28 =	sadd.s32 $0x15E00, s23  }
0x25: {  	[tilespmem:s28+$0x80] =	vst v1  }
0x26: {  	v1 =	vld.idx.msk [tilespmem:v2+s3+$0x0], $0xffff  }
0x27: {  	v2 =	vor.u32 $0x3, v0;
	_ =	sdelay $0x3  }
0x28: {  	[tilespmem:s28+$0x100] =	vst v1  }
0x29: {  	v1 =	vld.idx.msk [tilespmem:v2+s3+$0x0], $0xffff  }
0x2a: {  	v2 =	vor.u32 $0x4, v0;
	_ =	sdelay $0x3  }
0x2b: {  	[tilespmem:s28+$0x180] =	vst v1  }
0x2c: {  	v1 =	vld.idx.msk [tilespmem:v2+s3+$0x0], $0xffff  }
0x2d: {  	v2 =	vor.u32 $0x5, v0;
	_ =	sdelay $0x3  }
0x2e: {  	[tilespmem:s28+$0x200] =	vst v1  }
0x2f: {  	v1 =	vld.idx.msk [tilespmem:v2+s3+$0x0], $0xffff  }
0x30: {  	v2 =	vor.u32 $0x6, v0;
	_ =	sdelay $0x3  }
0x31: {  	[tilespmem:s28+$0x280] =	vst v1  }
0x32: {  	v1 =	vld.idx.msk [tilespmem:v2+s3+$0x0], $0xffff  }
0x33: {  	v0 =	vor.u32 $0x7, v0;
	_ =	sdelay $0x1  }
0x34: {  	s30 =	sadd.s32 s5, s22  }
0x35: {  	s31 =	sshll.u32 s30, $0xD;
	s23 =	sshll.u32 s30, $0xA  }
0x36: {  	s25 =	sand.u32 $0xFFF8000, s31;
	s23 =	sand.u32 $0xC00, s23;
	[tilespmem:s28+$0x300] =	vst v1  }
0x37: {  	s26 =	smov.u32 s21;
	s23 =	sor.u32 s23, s25;
	s25 =	simm.s32 $0x80;
	v0 =	vld.idx.msk [tilespmem:v0+s3+$0x0], $0xffff  }
.LBB2_3:
0x38: {  	_ =	sdelay $0x3  }
0x39: {  	p1 =	sne.s32 s25, $0x1F80;
	s24 =	sadd.s32 $0x10, s24;
	s26 =	sadd.s32 $0x10, s26;
	[tilespmem:s28+$0x380] =	vst v0  }
0x3a: {  	s28 =	smov.u32 s25;
	s25 =	sadd.s32 $0x80, s25;
	v0 =	vld [tilespmem:s26+$0x0];
	_ =	sdelay $0x4  }
0x3b: {  	v0 =	vshll.u32 v0, $0x6;
	_ =	sdelay $0x4  }
0x3c: {  	v1 =	vld.idx.msk [tilespmem:v0+s3+$0x0], $0xffff;
	_ =	sdelay $0x1  }
0x3d: {  	v2 =	vor.u32 $0x1, v0;
	_ =	sdelay $0x1  }
0x3e: {  	s29 =	sand.u32 $0x70, s24;
	s28 =	sand.u32 $0x1C00, s28  }
0x3f: {  	s28 =	sor.u32 s29, s28  }
0x40: {  	[tilespmem:s28+$0x15E00] =	vst v1  }
0x41: {  	v1 =	vld.idx.msk [tilespmem:v2+s3+$0x0], $0xffff;
	_ =	sdelay $0x1  }
0x42: {  	v2 =	vor.u32 $0x2, v0;
	_ =	sdelay $0x2  }
0x43: {  	s28 =	sadd.s32 $0x15E00, s28  }
0x44: {  	[tilespmem:s28+$0x80] =	vst v1  }
0x45: {  	v1 =	vld.idx.msk [tilespmem:v2+s3+$0x0], $0xffff;
	_ =	sdelay $0x1  }
0x46: {  	v2 =	vor.u32 $0x3, v0;
	_ =	sdelay $0x3  }
0x47: {  	[tilespmem:s28+$0x100] =	vst v1  }
0x48: {  	v1 =	vld.idx.msk [tilespmem:v2+s3+$0x0], $0xffff;
	_ =	sdelay $0x1  }
0x49: {  	v2 =	vor.u32 $0x4, v0;
	_ =	sdelay $0x3  }
0x4a: {  	[tilespmem:s28+$0x180] =	vst v1  }
0x4b: {  	v1 =	vld.idx.msk [tilespmem:v2+s3+$0x0], $0xffff;
	_ =	sdelay $0x1  }
0x4c: {  	v2 =	vor.u32 $0x5, v0;
	_ =	sdelay $0x3  }
0x4d: {  	[tilespmem:s28+$0x200] =	vst v1  }
0x4e: {  	v1 =	vld.idx.msk [tilespmem:v2+s3+$0x0], $0xffff;
	_ =	sdelay $0x1  }
0x4f: {  	v2 =	vor.u32 $0x6, v0;
	_ =	sdelay $0x3  }
0x50: {  	[tilespmem:s28+$0x280] =	vst v1  }
0x51: {  	v1 =	vld.idx.msk [tilespmem:v2+s3+$0x0], $0xffff;
	_ =	sdelay $0x1  }
0x52: {  	v0 =	vor.u32 $0x7, v0  }
.Ltmp0:
0x53: {  	(pc) =	sbr.rel @p1 .LBB2_3-.Ltmp0, $3  }
0x54: {  	_ =	sdelay $0x1  }
0x55: {  	[tilespmem:s28+$0x300] =	vst v1  }
0x56: {  	v0 =	vld.idx.msk [tilespmem:v0+s3+$0x0], $0xffff  }
0x57: {  	_ =	sdelay $0x3  }
0x58: {  	s24 =	sadd.s32 s2, s23;
	[tilespmem:s28+$0x380] =	vst v0  }
0x59: {  	[hbm4b:s24+s3] =	stream.linear.scatter [tilespmem:s16], [sflag:$0x1], $0x2000, $0x38;
	[tilespmem:$0x19E00] =	vst v63  }
0x5a: {  	s24 =	simm.s32 @!p0 $0x2  }
0x5b: {  	_ =	swait.ge @!p0 [sflag:s24], $0x2000  }
0x5c: {  	[sflag:s24] =	ssyncset.done @!p0 $0x0  }
0x5d: {  	[sflag:s24] =	ssyncadd.s32 @!p0 $0xFFFFE000  }
0x5e: {  	v0 =	vld [tilespmem:s21+$0x0];
	_ =	sdelay $0x4  }
0x5f: {  	v0 =	vshll.u32 v0, $0x6  }
0x60: {  	v1 =	vor.u32 $0x8, v0;
	_ =	sdelay $0x4  }
0x61: {  	v1 =	vld.idx.msk [tilespmem:v1+s3+$0x0], $0xffff  }
0x62: {  	s24 =	simm.s32 $0x0;
	v2 =	vor.u32 $0x9, v0  }
0x63: {  	s25 =	sand.u32 $0x1C00, s24;
	s26 =	sand.u32 $0x70, s24  }
0x64: {  	s25 =	sor.u32 s26, s25  }
0x65: {  	s28 =	sadd.s32 $0x15E00, s25  }
0x66: {  	[tilespmem:s28+$0x2000] =	vst v1  }
0x67: {  	v1 =	vld.idx.msk [tilespmem:v2+s3+$0x0], $0xffff  }
0x68: {  	v2 =	vor.u32 $0xA, v0;
	_ =	sdelay $0x3  }
0x69: {  	[tilespmem:s28+$0x2080] =	vst v1  }
0x6a: {  	v1 =	vld.idx.msk [tilespmem:v2+s3+$0x0], $0xffff  }
0x6b: {  	v2 =	vor.u32 $0xB, v0;
	_ =	sdelay $0x3  }
0x6c: {  	[tilespmem:s28+$0x2100] =	vst v1  }
0x6d: {  	v1 =	vld.idx.msk [tilespmem:v2+s3+$0x0], $0xffff  }
0x6e: {  	v2 =	vor.u32 $0xC, v0;
	_ =	sdelay $0x3  }
0x6f: {  	[tilespmem:s28+$0x2180] =	vst v1  }
0x70: {  	v1 =	vld.idx.msk [tilespmem:v2+s3+$0x0], $0xffff  }
0x71: {  	v2 =	vor.u32 $0xD, v0;
	_ =	sdelay $0x3  }
0x72: {  	[tilespmem:s28+$0x2200] =	vst v1  }
0x73: {  	v1 =	vld.idx.msk [tilespmem:v2+s3+$0x0], $0xffff  }
0x74: {  	v2 =	vor.u32 $0xE, v0;
	_ =	sdelay $0x3  }
0x75: {  	[tilespmem:s28+$0x2280] =	vst v1  }
0x76: {  	v1 =	vld.idx.msk [tilespmem:v2+s3+$0x0], $0xffff  }
0x77: {  	v0 =	vor.u32 $0xF, v0;
	_ =	sdelay $0x3  }
0x78: {  	[tilespmem:s28+$0x2300] =	vst v1  }
0x79: {  	s26 =	smov.u32 s21;
	s25 =	simm.s32 $0x80;
	v0 =	vld.idx.msk [tilespmem:v0+s3+$0x0], $0xffff  }
.LBB2_5:
0x7a: {  	_ =	sdelay $0x3  }
0x7b: {  	p0 =	sne.s32 s25, $0x1F80;
	s24 =	sadd.s32 $0x10, s24;
	s26 =	sadd.s32 $0x10, s26;
	[tilespmem:s28+$0x2380] =	vst v0  }
0x7c: {  	s28 =	smov.u32 s25;
	s25 =	sadd.s32 $0x80, s25;
	v0 =	vld [tilespmem:s26+$0x0];
	_ =	sdelay $0x4  }
0x7d: {  	v0 =	vshll.u32 v0, $0x6  }
0x7e: {  	v1 =	vor.u32 $0x8, v0;
	_ =	sdelay $0x4  }
0x7f: {  	v1 =	vld.idx.msk [tilespmem:v1+s3+$0x0], $0xffff;
	_ =	sdelay $0x1  }
0x80: {  	v2 =	vor.u32 $0x9, v0  }
0x81: {  	s29 =	sand.u32 $0x70, s24;
	s28 =	sand.u32 $0x1C00, s28  }
0x82: {  	s28 =	sor.u32 s29, s28  }
0x83: {  	s28 =	sadd.s32 $0x15E00, s28  }
0x84: {  	[tilespmem:s28+$0x2000] =	vst v1  }
0x85: {  	v1 =	vld.idx.msk [tilespmem:v2+s3+$0x0], $0xffff;
	_ =	sdelay $0x1  }
0x86: {  	v2 =	vor.u32 $0xA, v0;
	_ =	sdelay $0x3  }
0x87: {  	[tilespmem:s28+$0x2080] =	vst v1  }
0x88: {  	v1 =	vld.idx.msk [tilespmem:v2+s3+$0x0], $0xffff;
	_ =	sdelay $0x1  }
0x89: {  	v2 =	vor.u32 $0xB, v0;
	_ =	sdelay $0x3  }
0x8a: {  	[tilespmem:s28+$0x2100] =	vst v1  }
0x8b: {  	v1 =	vld.idx.msk [tilespmem:v2+s3+$0x0], $0xffff;
	_ =	sdelay $0x1  }
0x8c: {  	v2 =	vor.u32 $0xC, v0;
	_ =	sdelay $0x3  }
0x8d: {  	[tilespmem:s28+$0x2180] =	vst v1  }
0x8e: {  	v1 =	vld.idx.msk [tilespmem:v2+s3+$0x0], $0xffff;
	_ =	sdelay $0x1  }
0x8f: {  	v2 =	vor.u32 $0xD, v0;
	_ =	sdelay $0x3  }
0x90: {  	[tilespmem:s28+$0x2200] =	vst v1  }
0x91: {  	v1 =	vld.idx.msk [tilespmem:v2+s3+$0x0], $0xffff;
	_ =	sdelay $0x1  }
0x92: {  	v2 =	vor.u32 $0xE, v0;
	_ =	sdelay $0x3  }
0x93: {  	[tilespmem:s28+$0x2280] =	vst v1  }
0x94: {  	v1 =	vld.idx.msk [tilespmem:v2+s3+$0x0], $0xffff;
	_ =	sdelay $0x1  }
0x95: {  	v0 =	vor.u32 $0xF, v0  }
.Ltmp1:
0x96: {  	(pc) =	sbr.rel @p0 .LBB2_5-.Ltmp1, $3  }
0x97: {  	_ =	sdelay $0x1  }
0x98: {  	[tilespmem:s28+$0x2300] =	vst v1  }
0x99: {  	v0 =	vld.idx.msk [tilespmem:v0+s3+$0x0], $0xffff  }
0x9a: {  	_ =	sdelay $0x3  }
0x9b: {  	s25 =	sadd.s32 s23, s7;
	s24 =	simm.s32 $0x0;
	[tilespmem:s28+$0x2380] =	vst v0  }
0x9c: {  	[hbm4b:s25+s24] =	stream.linear.scatter [tilespmem:s17], [sflag:$0x2], $0x2000, $0x38;
	[tilespmem:$0x19E00] =	vst v63  }
0x9d: {  	_ =	swait.ge [sflag:s18], $0x2000  }
0x9e: {  	[sflag:s18] =	ssyncset.done $0x0  }
0x9f: {  	[sflag:s18] =	ssyncadd.s32 $0xFFFFE000  }
0xa0: {  	v0 =	vld [tilespmem:s21+$0x0];
	_ =	sdelay $0x4  }
0xa1: {  	v0 =	vshll.u32 v0, $0x6  }
0xa2: {  	v1 =	vor.u32 $0x10, v0;
	_ =	sdelay $0x4  }
0xa3: {  	v1 =	vld.idx.msk [tilespmem:v1+s3+$0x0], $0xffff  }
0xa4: {  	v2 =	vor.u32 $0x11, v0;
	_ =	sdelay $0x1  }
0xa5: {  	s31 =	sand.u32 $0x1C00, s24;
	s26 =	sand.u32 $0x70, s24  }
0xa6: {  	s25 =	sor.u32 s26, s31  }
0xa7: {  	[tilespmem:s25+$0x15E00] =	vst v1  }
0xa8: {  	v1 =	vld.idx.msk [tilespmem:v2+s3+$0x0], $0xffff  }
0xa9: {  	v2 =	vor.u32 $0x12, v0;
	_ =	sdelay $0x2  }
0xaa: {  	s28 =	sadd.s32 $0x15E00, s25  }
0xab: {  	[tilespmem:s28+$0x80] =	vst v1  }
0xac: {  	v1 =	vld.idx.msk [tilespmem:v2+s3+$0x0], $0xffff  }
0xad: {  	v2 =	vor.u32 $0x13, v0;
	_ =	sdelay $0x3  }
0xae: {  	[tilespmem:s28+$0x100] =	vst v1  }
0xaf: {  	v1 =	vld.idx.msk [tilespmem:v2+s3+$0x0], $0xffff  }
0xb0: {  	v2 =	vor.u32 $0x14, v0;
	_ =	sdelay $0x3  }
0xb1: {  	[tilespmem:s28+$0x180] =	vst v1  }
0xb2: {  	v1 =	vld.idx.msk [tilespmem:v2+s3+$0x0], $0xffff  }
0xb3: {  	v2 =	vor.u32 $0x15, v0;
	_ =	sdelay $0x3  }
0xb4: {  	[tilespmem:s28+$0x200] =	vst v1  }
0xb5: {  	v1 =	vld.idx.msk [tilespmem:v2+s3+$0x0], $0xffff  }
0xb6: {  	v2 =	vor.u32 $0x16, v0;
	_ =	sdelay $0x3  }
0xb7: {  	[tilespmem:s28+$0x280] =	vst v1  }
0xb8: {  	v1 =	vld.idx.msk [tilespmem:v2+s3+$0x0], $0xffff  }
0xb9: {  	v0 =	vor.u32 $0x17, v0;
	_ =	sdelay $0x3  }
0xba: {  	[tilespmem:s28+$0x300] =	vst v1  }
0xbb: {  	s26 =	smov.u32 s21;
	s25 =	simm.s32 $0x80;
	v0 =	vld.idx.msk [tilespmem:v0+s3+$0x0], $0xffff  }
.LBB2_7:
0xbc: {  	_ =	sdelay $0x3  }
0xbd: {  	p0 =	sne.s32 s25, $0x1F80;
	s24 =	sadd.s32 $0x10, s24;
	s26 =	sadd.s32 $0x10, s26;
	[tilespmem:s28+$0x380] =	vst v0  }
0xbe: {  	s28 =	smov.u32 s25;
	s25 =	sadd.s32 $0x80, s25;
	v0 =	vld [tilespmem:s26+$0x0];
	_ =	sdelay $0x4  }
0xbf: {  	v0 =	vshll.u32 v0, $0x6  }
0xc0: {  	v1 =	vor.u32 $0x10, v0;
	_ =	sdelay $0x4  }
0xc1: {  	v1 =	vld.idx.msk [tilespmem:v1+s3+$0x0], $0xffff;
	_ =	sdelay $0x1  }
0xc2: {  	v2 =	vor.u32 $0x11, v0;
	_ =	sdelay $0x1  }
0xc3: {  	s29 =	sand.u32 $0x70, s24;
	s28 =	sand.u32 $0x1C00, s28  }
0xc4: {  	s28 =	sor.u32 s29, s28  }
0xc5: {  	[tilespmem:s28+$0x15E00] =	vst v1  }
0xc6: {  	v1 =	vld.idx.msk [tilespmem:v2+s3+$0x0], $0xffff;
	_ =	sdelay $0x1  }
0xc7: {  	v2 =	vor.u32 $0x12, v0;
	_ =	sdelay $0x2  }
0xc8: {  	s28 =	sadd.s32 $0x15E00, s28  }
0xc9: {  	[tilespmem:s28+$0x80] =	vst v1  }
0xca: {  	v1 =	vld.idx.msk [tilespmem:v2+s3+$0x0], $0xffff;
	_ =	sdelay $0x1  }
0xcb: {  	v2 =	vor.u32 $0x13, v0;
	_ =	sdelay $0x3  }
0xcc: {  	[tilespmem:s28+$0x100] =	vst v1  }
0xcd: {  	v1 =	vld.idx.msk [tilespmem:v2+s3+$0x0], $0xffff;
	_ =	sdelay $0x1  }
0xce: {  	v2 =	vor.u32 $0x14, v0;
	_ =	sdelay $0x3  }
0xcf: {  	[tilespmem:s28+$0x180] =	vst v1  }
0xd0: {  	v1 =	vld.idx.msk [tilespmem:v2+s3+$0x0], $0xffff;
	_ =	sdelay $0x1  }
0xd1: {  	v2 =	vor.u32 $0x15, v0;
	_ =	sdelay $0x3  }
0xd2: {  	[tilespmem:s28+$0x200] =	vst v1  }
0xd3: {  	v1 =	vld.idx.msk [tilespmem:v2+s3+$0x0], $0xffff;
	_ =	sdelay $0x1  }
0xd4: {  	v2 =	vor.u32 $0x16, v0;
	_ =	sdelay $0x3  }
0xd5: {  	[tilespmem:s28+$0x280] =	vst v1  }
0xd6: {  	v1 =	vld.idx.msk [tilespmem:v2+s3+$0x0], $0xffff;
	_ =	sdelay $0x1  }
0xd7: {  	v0 =	vor.u32 $0x17, v0  }
.Ltmp2:
0xd8: {  	(pc) =	sbr.rel @p0 .LBB2_7-.Ltmp2, $3  }
0xd9: {  	_ =	sdelay $0x1  }
0xda: {  	[tilespmem:s28+$0x300] =	vst v1  }
0xdb: {  	v0 =	vld.idx.msk [tilespmem:v0+s3+$0x0], $0xffff  }
0xdc: {  	_ =	sdelay $0x3  }
0xdd: {  	s25 =	sadd.s32 s23, s8;
	s24 =	simm.s32 $0x0;
	[tilespmem:s28+$0x380] =	vst v0  }
0xde: {  	[hbm4b:s25+s24] =	stream.linear.scatter [tilespmem:s16], [sflag:$0x1], $0x2000, $0x38;
	[tilespmem:$0x19E00] =	vst v63  }
0xdf: {  	_ =	swait.ge [sflag:s19], $0x2000  }
0xe0: {  	[sflag:s19] =	ssyncset.done $0x0  }
0xe1: {  	[sflag:s19] =	ssyncadd.s32 $0xFFFFE000  }
0xe2: {  	v0 =	vld [tilespmem:s21+$0x0];
	_ =	sdelay $0x4  }
0xe3: {  	v0 =	vshll.u32 v0, $0x6  }
0xe4: {  	v1 =	vor.u32 $0x18, v0;
	_ =	sdelay $0x4  }
0xe5: {  	v1 =	vld.idx.msk [tilespmem:v1+s3+$0x0], $0xffff  }
0xe6: {  	v2 =	vor.u32 $0x19, v0  }
0xe7: {  	s31 =	sand.u32 $0x1C00, s24;
	s26 =	sand.u32 $0x70, s24  }
0xe8: {  	s25 =	sor.u32 s26, s31  }
0xe9: {  	s28 =	sadd.s32 $0x15E00, s25  }
0xea: {  	[tilespmem:s28+$0x2000] =	vst v1  }
0xeb: {  	v1 =	vld.idx.msk [tilespmem:v2+s3+$0x0], $0xffff  }
0xec: {  	v2 =	vor.u32 $0x1A, v0;
	_ =	sdelay $0x3  }
0xed: {  	[tilespmem:s28+$0x2080] =	vst v1  }
0xee: {  	v1 =	vld.idx.msk [tilespmem:v2+s3+$0x0], $0xffff  }
0xef: {  	v2 =	vor.u32 $0x1B, v0;
	_ =	sdelay $0x3  }
0xf0: {  	[tilespmem:s28+$0x2100] =	vst v1  }
0xf1: {  	v1 =	vld.idx.msk [tilespmem:v2+s3+$0x0], $0xffff  }
0xf2: {  	v2 =	vor.u32 $0x1C, v0;
	_ =	sdelay $0x3  }
0xf3: {  	[tilespmem:s28+$0x2180] =	vst v1  }
0xf4: {  	v1 =	vld.idx.msk [tilespmem:v2+s3+$0x0], $0xffff  }
0xf5: {  	v2 =	vor.u32 $0x1D, v0;
	_ =	sdelay $0x3  }
0xf6: {  	[tilespmem:s28+$0x2200] =	vst v1  }
0xf7: {  	v1 =	vld.idx.msk [tilespmem:v2+s3+$0x0], $0xffff  }
0xf8: {  	v2 =	vor.u32 $0x1E, v0;
	_ =	sdelay $0x3  }
0xf9: {  	[tilespmem:s28+$0x2280] =	vst v1  }
0xfa: {  	v1 =	vld.idx.msk [tilespmem:v2+s3+$0x0], $0xffff  }
0xfb: {  	v0 =	vor.u32 $0x1F, v0;
	_ =	sdelay $0x3  }
0xfc: {  	[tilespmem:s28+$0x2300] =	vst v1  }
0xfd: {  	s26 =	smov.u32 s21;
	s25 =	simm.s32 $0x80;
	v0 =	vld.idx.msk [tilespmem:v0+s3+$0x0], $0xffff  }
.LBB2_9:
0xfe: {  	_ =	sdelay $0x3  }
0xff: {  	p0 =	sne.s32 s25, $0x1F80;
	s24 =	sadd.s32 $0x10, s24;
	s26 =	sadd.s32 $0x10, s26;
	[tilespmem:s28+$0x2380] =	vst v0  }
0x100: {  	s28 =	smov.u32 s25;
	s25 =	sadd.s32 $0x80, s25;
	v0 =	vld [tilespmem:s26+$0x0];
	_ =	sdelay $0x4  }
0x101: {  	v0 =	vshll.u32 v0, $0x6  }
0x102: {  	v1 =	vor.u32 $0x18, v0;
	_ =	sdelay $0x4  }
0x103: {  	v1 =	vld.idx.msk [tilespmem:v1+s3+$0x0], $0xffff;
	_ =	sdelay $0x1  }
0x104: {  	v2 =	vor.u32 $0x19, v0  }
0x105: {  	s29 =	sand.u32 $0x70, s24;
	s28 =	sand.u32 $0x1C00, s28  }
0x106: {  	s28 =	sor.u32 s29, s28  }
0x107: {  	s28 =	sadd.s32 $0x15E00, s28  }
0x108: {  	[tilespmem:s28+$0x2000] =	vst v1  }
0x109: {  	v1 =	vld.idx.msk [tilespmem:v2+s3+$0x0], $0xffff;
	_ =	sdelay $0x1  }
0x10a: {  	v2 =	vor.u32 $0x1A, v0;
	_ =	sdelay $0x3  }
0x10b: {  	[tilespmem:s28+$0x2080] =	vst v1  }
0x10c: {  	v1 =	vld.idx.msk [tilespmem:v2+s3+$0x0], $0xffff;
	_ =	sdelay $0x1  }
0x10d: {  	v2 =	vor.u32 $0x1B, v0;
	_ =	sdelay $0x3  }
0x10e: {  	[tilespmem:s28+$0x2100] =	vst v1  }
0x10f: {  	v1 =	vld.idx.msk [tilespmem:v2+s3+$0x0], $0xffff;
	_ =	sdelay $0x1  }
0x110: {  	v2 =	vor.u32 $0x1C, v0;
	_ =	sdelay $0x3  }
0x111: {  	[tilespmem:s28+$0x2180] =	vst v1  }
0x112: {  	v1 =	vld.idx.msk [tilespmem:v2+s3+$0x0], $0xffff;
	_ =	sdelay $0x1  }
0x113: {  	v2 =	vor.u32 $0x1D, v0;
	_ =	sdelay $0x3  }
0x114: {  	[tilespmem:s28+$0x2200] =	vst v1  }
0x115: {  	v1 =	vld.idx.msk [tilespmem:v2+s3+$0x0], $0xffff;
	_ =	sdelay $0x1  }
0x116: {  	v2 =	vor.u32 $0x1E, v0;
	_ =	sdelay $0x3  }
0x117: {  	[tilespmem:s28+$0x2280] =	vst v1  }
0x118: {  	v1 =	vld.idx.msk [tilespmem:v2+s3+$0x0], $0xffff;
	_ =	sdelay $0x1  }
0x119: {  	v0 =	vor.u32 $0x1F, v0  }
.Ltmp3:
0x11a: {  	(pc) =	sbr.rel @p0 .LBB2_9-.Ltmp3, $3  }
0x11b: {  	_ =	sdelay $0x1  }
0x11c: {  	[tilespmem:s28+$0x2300] =	vst v1  }
0x11d: {  	v0 =	vld.idx.msk [tilespmem:v0+s3+$0x0], $0xffff  }
0x11e: {  	_ =	sdelay $0x3  }
0x11f: {  	s25 =	sadd.s32 s23, s9;
	s24 =	simm.s32 $0x0;
	[tilespmem:s28+$0x2380] =	vst v0  }
0x120: {  	[hbm4b:s25+s24] =	stream.linear.scatter [tilespmem:s17], [sflag:$0x2], $0x2000, $0x38;
	[tilespmem:$0x19E00] =	vst v63  }
0x121: {  	_ =	swait.ge [sflag:s18], $0x2000  }
0x122: {  	[sflag:s18] =	ssyncset.done $0x0  }
0x123: {  	[sflag:s18] =	ssyncadd.s32 $0xFFFFE000  }
0x124: {  	v0 =	vld [tilespmem:s21+$0x0];
	_ =	sdelay $0x4  }
0x125: {  	v0 =	vshll.u32 v0, $0x6  }
0x126: {  	v1 =	vor.u32 $0x20, v0;
	_ =	sdelay $0x4  }
0x127: {  	v1 =	vld.idx.msk [tilespmem:v1+s3+$0x0], $0xffff  }
0x128: {  	v2 =	vor.u32 $0x21, v0;
	_ =	sdelay $0x1  }
0x129: {  	s31 =	sand.u32 $0x1C00, s24;
	s26 =	sand.u32 $0x70, s24  }
0x12a: {  	s25 =	sor.u32 s26, s31  }
0x12b: {  	[tilespmem:s25+$0x15E00] =	vst v1  }
0x12c: {  	v1 =	vld.idx.msk [tilespmem:v2+s3+$0x0], $0xffff  }
0x12d: {  	v2 =	vor.u32 $0x22, v0;
	_ =	sdelay $0x2  }
0x12e: {  	s28 =	sadd.s32 $0x15E00, s25  }
0x12f: {  	[tilespmem:s28+$0x80] =	vst v1  }
0x130: {  	v1 =	vld.idx.msk [tilespmem:v2+s3+$0x0], $0xffff  }
0x131: {  	v2 =	vor.u32 $0x23, v0;
	_ =	sdelay $0x3  }
0x132: {  	[tilespmem:s28+$0x100] =	vst v1  }
0x133: {  	v1 =	vld.idx.msk [tilespmem:v2+s3+$0x0], $0xffff  }
0x134: {  	v2 =	vor.u32 $0x24, v0;
	_ =	sdelay $0x3  }
0x135: {  	[tilespmem:s28+$0x180] =	vst v1  }
0x136: {  	v1 =	vld.idx.msk [tilespmem:v2+s3+$0x0], $0xffff  }
0x137: {  	v2 =	vor.u32 $0x25, v0;
	_ =	sdelay $0x3  }
0x138: {  	[tilespmem:s28+$0x200] =	vst v1  }
0x139: {  	v1 =	vld.idx.msk [tilespmem:v2+s3+$0x0], $0xffff  }
0x13a: {  	v2 =	vor.u32 $0x26, v0;
	_ =	sdelay $0x3  }
0x13b: {  	[tilespmem:s28+$0x280] =	vst v1  }
0x13c: {  	v1 =	vld.idx.msk [tilespmem:v2+s3+$0x0], $0xffff  }
0x13d: {  	v0 =	vor.u32 $0x27, v0;
	_ =	sdelay $0x3  }
0x13e: {  	[tilespmem:s28+$0x300] =	vst v1  }
0x13f: {  	s26 =	smov.u32 s21;
	s25 =	simm.s32 $0x80;
	v0 =	vld.idx.msk [tilespmem:v0+s3+$0x0], $0xffff  }
.LBB2_11:
0x140: {  	_ =	sdelay $0x3  }
0x141: {  	p0 =	sne.s32 s25, $0x1F80;
	s24 =	sadd.s32 $0x10, s24;
	s26 =	sadd.s32 $0x10, s26;
	[tilespmem:s28+$0x380] =	vst v0  }
0x142: {  	s28 =	smov.u32 s25;
	s25 =	sadd.s32 $0x80, s25;
	v0 =	vld [tilespmem:s26+$0x0];
	_ =	sdelay $0x4  }
0x143: {  	v0 =	vshll.u32 v0, $0x6  }
0x144: {  	v1 =	vor.u32 $0x20, v0;
	_ =	sdelay $0x4  }
0x145: {  	v1 =	vld.idx.msk [tilespmem:v1+s3+$0x0], $0xffff;
	_ =	sdelay $0x1  }
0x146: {  	v2 =	vor.u32 $0x21, v0;
	_ =	sdelay $0x1  }
0x147: {  	s29 =	sand.u32 $0x70, s24;
	s28 =	sand.u32 $0x1C00, s28  }
0x148: {  	s28 =	sor.u32 s29, s28  }
0x149: {  	[tilespmem:s28+$0x15E00] =	vst v1  }
0x14a: {  	v1 =	vld.idx.msk [tilespmem:v2+s3+$0x0], $0xffff;
	_ =	sdelay $0x1  }
0x14b: {  	v2 =	vor.u32 $0x22, v0;
	_ =	sdelay $0x2  }
0x14c: {  	s28 =	sadd.s32 $0x15E00, s28  }
0x14d: {  	[tilespmem:s28+$0x80] =	vst v1  }
0x14e: {  	v1 =	vld.idx.msk [tilespmem:v2+s3+$0x0], $0xffff;
	_ =	sdelay $0x1  }
0x14f: {  	v2 =	vor.u32 $0x23, v0;
	_ =	sdelay $0x3  }
0x150: {  	[tilespmem:s28+$0x100] =	vst v1  }
0x151: {  	v1 =	vld.idx.msk [tilespmem:v2+s3+$0x0], $0xffff;
	_ =	sdelay $0x1  }
0x152: {  	v2 =	vor.u32 $0x24, v0;
	_ =	sdelay $0x3  }
0x153: {  	[tilespmem:s28+$0x180] =	vst v1  }
0x154: {  	v1 =	vld.idx.msk [tilespmem:v2+s3+$0x0], $0xffff;
	_ =	sdelay $0x1  }
0x155: {  	v2 =	vor.u32 $0x25, v0;
	_ =	sdelay $0x3  }
0x156: {  	[tilespmem:s28+$0x200] =	vst v1  }
0x157: {  	v1 =	vld.idx.msk [tilespmem:v2+s3+$0x0], $0xffff;
	_ =	sdelay $0x1  }
0x158: {  	v2 =	vor.u32 $0x26, v0;
	_ =	sdelay $0x3  }
0x159: {  	[tilespmem:s28+$0x280] =	vst v1  }
0x15a: {  	v1 =	vld.idx.msk [tilespmem:v2+s3+$0x0], $0xffff;
	_ =	sdelay $0x1  }
0x15b: {  	v0 =	vor.u32 $0x27, v0  }
.Ltmp4:
0x15c: {  	(pc) =	sbr.rel @p0 .LBB2_11-.Ltmp4, $3  }
0x15d: {  	_ =	sdelay $0x1  }
0x15e: {  	[tilespmem:s28+$0x300] =	vst v1  }
0x15f: {  	v0 =	vld.idx.msk [tilespmem:v0+s3+$0x0], $0xffff  }
0x160: {  	_ =	sdelay $0x3  }
0x161: {  	s25 =	sadd.s32 s23, s10;
	s24 =	simm.s32 $0x0;
	[tilespmem:s28+$0x380] =	vst v0  }
0x162: {  	[hbm4b:s25+s24] =	stream.linear.scatter [tilespmem:s16], [sflag:$0x1], $0x2000, $0x38;
	[tilespmem:$0x19E00] =	vst v63  }
0x163: {  	_ =	swait.ge [sflag:s19], $0x2000  }
0x164: {  	[sflag:s19] =	ssyncset.done $0x0  }
0x165: {  	[sflag:s19] =	ssyncadd.s32 $0xFFFFE000  }
0x166: {  	v0 =	vld [tilespmem:s21+$0x0];
	_ =	sdelay $0x4  }
0x167: {  	v0 =	vshll.u32 v0, $0x6  }
0x168: {  	v1 =	vor.u32 $0x28, v0;
	_ =	sdelay $0x4  }
0x169: {  	v1 =	vld.idx.msk [tilespmem:v1+s3+$0x0], $0xffff  }
0x16a: {  	v2 =	vor.u32 $0x29, v0  }
0x16b: {  	s31 =	sand.u32 $0x1C00, s24;
	s26 =	sand.u32 $0x70, s24  }
0x16c: {  	s25 =	sor.u32 s26, s31  }
0x16d: {  	s28 =	sadd.s32 $0x15E00, s25  }
0x16e: {  	[tilespmem:s28+$0x2000] =	vst v1  }
0x16f: {  	v1 =	vld.idx.msk [tilespmem:v2+s3+$0x0], $0xffff  }
0x170: {  	v2 =	vor.u32 $0x2A, v0;
	_ =	sdelay $0x3  }
0x171: {  	[tilespmem:s28+$0x2080] =	vst v1  }
0x172: {  	v1 =	vld.idx.msk [tilespmem:v2+s3+$0x0], $0xffff  }
0x173: {  	v2 =	vor.u32 $0x2B, v0;
	_ =	sdelay $0x3  }
0x174: {  	[tilespmem:s28+$0x2100] =	vst v1  }
0x175: {  	v1 =	vld.idx.msk [tilespmem:v2+s3+$0x0], $0xffff  }
0x176: {  	v2 =	vor.u32 $0x2C, v0;
	_ =	sdelay $0x3  }
0x177: {  	[tilespmem:s28+$0x2180] =	vst v1  }
0x178: {  	v1 =	vld.idx.msk [tilespmem:v2+s3+$0x0], $0xffff  }
0x179: {  	v2 =	vor.u32 $0x2D, v0;
	_ =	sdelay $0x3  }
0x17a: {  	[tilespmem:s28+$0x2200] =	vst v1  }
0x17b: {  	v1 =	vld.idx.msk [tilespmem:v2+s3+$0x0], $0xffff  }
0x17c: {  	v2 =	vor.u32 $0x2E, v0;
	_ =	sdelay $0x3  }
0x17d: {  	[tilespmem:s28+$0x2280] =	vst v1  }
0x17e: {  	v1 =	vld.idx.msk [tilespmem:v2+s3+$0x0], $0xffff  }
0x17f: {  	v0 =	vor.u32 $0x2F, v0;
	_ =	sdelay $0x3  }
0x180: {  	[tilespmem:s28+$0x2300] =	vst v1  }
0x181: {  	s26 =	smov.u32 s21;
	s25 =	simm.s32 $0x80;
	v0 =	vld.idx.msk [tilespmem:v0+s3+$0x0], $0xffff  }
.LBB2_13:
0x182: {  	_ =	sdelay $0x3  }
0x183: {  	p0 =	sne.s32 s25, $0x1F80;
	s24 =	sadd.s32 $0x10, s24;
	s26 =	sadd.s32 $0x10, s26;
	[tilespmem:s28+$0x2380] =	vst v0  }
0x184: {  	s28 =	smov.u32 s25;
	s25 =	sadd.s32 $0x80, s25;
	v0 =	vld [tilespmem:s26+$0x0];
	_ =	sdelay $0x4  }
0x185: {  	v0 =	vshll.u32 v0, $0x6  }
0x186: {  	v1 =	vor.u32 $0x28, v0;
	_ =	sdelay $0x4  }
0x187: {  	v1 =	vld.idx.msk [tilespmem:v1+s3+$0x0], $0xffff;
	_ =	sdelay $0x1  }
0x188: {  	v2 =	vor.u32 $0x29, v0  }
0x189: {  	s29 =	sand.u32 $0x70, s24;
	s28 =	sand.u32 $0x1C00, s28  }
0x18a: {  	s28 =	sor.u32 s29, s28  }
0x18b: {  	s28 =	sadd.s32 $0x15E00, s28  }
0x18c: {  	[tilespmem:s28+$0x2000] =	vst v1  }
0x18d: {  	v1 =	vld.idx.msk [tilespmem:v2+s3+$0x0], $0xffff;
	_ =	sdelay $0x1  }
0x18e: {  	v2 =	vor.u32 $0x2A, v0;
	_ =	sdelay $0x3  }
0x18f: {  	[tilespmem:s28+$0x2080] =	vst v1  }
0x190: {  	v1 =	vld.idx.msk [tilespmem:v2+s3+$0x0], $0xffff;
	_ =	sdelay $0x1  }
0x191: {  	v2 =	vor.u32 $0x2B, v0;
	_ =	sdelay $0x3  }
0x192: {  	[tilespmem:s28+$0x2100] =	vst v1  }
0x193: {  	v1 =	vld.idx.msk [tilespmem:v2+s3+$0x0], $0xffff;
	_ =	sdelay $0x1  }
0x194: {  	v2 =	vor.u32 $0x2C, v0;
	_ =	sdelay $0x3  }
0x195: {  	[tilespmem:s28+$0x2180] =	vst v1  }
0x196: {  	v1 =	vld.idx.msk [tilespmem:v2+s3+$0x0], $0xffff;
	_ =	sdelay $0x1  }
0x197: {  	v2 =	vor.u32 $0x2D, v0;
	_ =	sdelay $0x3  }
0x198: {  	[tilespmem:s28+$0x2200] =	vst v1  }
0x199: {  	v1 =	vld.idx.msk [tilespmem:v2+s3+$0x0], $0xffff;
	_ =	sdelay $0x1  }
0x19a: {  	v2 =	vor.u32 $0x2E, v0;
	_ =	sdelay $0x3  }
0x19b: {  	[tilespmem:s28+$0x2280] =	vst v1  }
0x19c: {  	v1 =	vld.idx.msk [tilespmem:v2+s3+$0x0], $0xffff;
	_ =	sdelay $0x1  }
0x19d: {  	v0 =	vor.u32 $0x2F, v0  }
.Ltmp5:
0x19e: {  	(pc) =	sbr.rel @p0 .LBB2_13-.Ltmp5, $3  }
0x19f: {  	_ =	sdelay $0x1  }
0x1a0: {  	[tilespmem:s28+$0x2300] =	vst v1  }
0x1a1: {  	v0 =	vld.idx.msk [tilespmem:v0+s3+$0x0], $0xffff  }
0x1a2: {  	_ =	sdelay $0x3  }
0x1a3: {  	s25 =	sadd.s32 s23, s11;
	s24 =	simm.s32 $0x0;
	[tilespmem:s28+$0x2380] =	vst v0  }
0x1a4: {  	[hbm4b:s25+s24] =	stream.linear.scatter [tilespmem:s17], [sflag:$0x2], $0x2000, $0x38;
	[tilespmem:$0x19E00] =	vst v63  }
0x1a5: {  	_ =	swait.ge [sflag:s18], $0x2000  }
0x1a6: {  	[sflag:s18] =	ssyncset.done $0x0  }
0x1a7: {  	[sflag:s18] =	ssyncadd.s32 $0xFFFFE000  }
0x1a8: {  	v0 =	vld [tilespmem:s21+$0x0];
	_ =	sdelay $0x4  }
0x1a9: {  	v0 =	vshll.u32 v0, $0x6  }
0x1aa: {  	v1 =	vor.u32 $0x30, v0;
	_ =	sdelay $0x4  }
0x1ab: {  	v1 =	vld.idx.msk [tilespmem:v1+s3+$0x0], $0xffff  }
0x1ac: {  	v2 =	vor.u32 $0x31, v0;
	_ =	sdelay $0x1  }
0x1ad: {  	s31 =	sand.u32 $0x1C00, s24;
	s26 =	sand.u32 $0x70, s24  }
0x1ae: {  	s25 =	sor.u32 s26, s31  }
0x1af: {  	[tilespmem:s25+$0x15E00] =	vst v1  }
0x1b0: {  	v1 =	vld.idx.msk [tilespmem:v2+s3+$0x0], $0xffff  }
0x1b1: {  	v2 =	vor.u32 $0x32, v0;
	_ =	sdelay $0x2  }
0x1b2: {  	s28 =	sadd.s32 $0x15E00, s25  }
0x1b3: {  	[tilespmem:s28+$0x80] =	vst v1  }
0x1b4: {  	v1 =	vld.idx.msk [tilespmem:v2+s3+$0x0], $0xffff  }
0x1b5: {  	v2 =	vor.u32 $0x33, v0;
	_ =	sdelay $0x3  }
0x1b6: {  	[tilespmem:s28+$0x100] =	vst v1  }
0x1b7: {  	v1 =	vld.idx.msk [tilespmem:v2+s3+$0x0], $0xffff  }
0x1b8: {  	v2 =	vor.u32 $0x34, v0;
	_ =	sdelay $0x3  }
0x1b9: {  	[tilespmem:s28+$0x180] =	vst v1  }
0x1ba: {  	v1 =	vld.idx.msk [tilespmem:v2+s3+$0x0], $0xffff  }
0x1bb: {  	v2 =	vor.u32 $0x35, v0;
	_ =	sdelay $0x3  }
0x1bc: {  	[tilespmem:s28+$0x200] =	vst v1  }
0x1bd: {  	v1 =	vld.idx.msk [tilespmem:v2+s3+$0x0], $0xffff  }
0x1be: {  	v2 =	vor.u32 $0x36, v0;
	_ =	sdelay $0x3  }
0x1bf: {  	[tilespmem:s28+$0x280] =	vst v1  }
0x1c0: {  	v1 =	vld.idx.msk [tilespmem:v2+s3+$0x0], $0xffff  }
0x1c1: {  	v0 =	vor.u32 $0x37, v0;
	_ =	sdelay $0x3  }
0x1c2: {  	[tilespmem:s28+$0x300] =	vst v1  }
0x1c3: {  	s26 =	smov.u32 s21;
	s25 =	simm.s32 $0x80;
	v0 =	vld.idx.msk [tilespmem:v0+s3+$0x0], $0xffff  }
.LBB2_15:
0x1c4: {  	_ =	sdelay $0x3  }
0x1c5: {  	p0 =	sne.s32 s25, $0x1F80;
	s24 =	sadd.s32 $0x10, s24;
	s26 =	sadd.s32 $0x10, s26;
	[tilespmem:s28+$0x380] =	vst v0  }
0x1c6: {  	s28 =	smov.u32 s25;
	s25 =	sadd.s32 $0x80, s25;
	v0 =	vld [tilespmem:s26+$0x0];
	_ =	sdelay $0x4  }
0x1c7: {  	v0 =	vshll.u32 v0, $0x6  }
0x1c8: {  	v1 =	vor.u32 $0x30, v0;
	_ =	sdelay $0x4  }
0x1c9: {  	v1 =	vld.idx.msk [tilespmem:v1+s3+$0x0], $0xffff;
	_ =	sdelay $0x1  }
0x1ca: {  	v2 =	vor.u32 $0x31, v0;
	_ =	sdelay $0x1  }
0x1cb: {  	s29 =	sand.u32 $0x70, s24;
	s28 =	sand.u32 $0x1C00, s28  }
0x1cc: {  	s28 =	sor.u32 s29, s28  }
0x1cd: {  	[tilespmem:s28+$0x15E00] =	vst v1  }
0x1ce: {  	v1 =	vld.idx.msk [tilespmem:v2+s3+$0x0], $0xffff;
	_ =	sdelay $0x1  }
0x1cf: {  	v2 =	vor.u32 $0x32, v0;
	_ =	sdelay $0x2  }
0x1d0: {  	s28 =	sadd.s32 $0x15E00, s28  }
0x1d1: {  	[tilespmem:s28+$0x80] =	vst v1  }
0x1d2: {  	v1 =	vld.idx.msk [tilespmem:v2+s3+$0x0], $0xffff;
	_ =	sdelay $0x1  }
0x1d3: {  	v2 =	vor.u32 $0x33, v0;
	_ =	sdelay $0x3  }
0x1d4: {  	[tilespmem:s28+$0x100] =	vst v1  }
0x1d5: {  	v1 =	vld.idx.msk [tilespmem:v2+s3+$0x0], $0xffff;
	_ =	sdelay $0x1  }
0x1d6: {  	v2 =	vor.u32 $0x34, v0;
	_ =	sdelay $0x3  }
0x1d7: {  	[tilespmem:s28+$0x180] =	vst v1  }
0x1d8: {  	v1 =	vld.idx.msk [tilespmem:v2+s3+$0x0], $0xffff;
	_ =	sdelay $0x1  }
0x1d9: {  	v2 =	vor.u32 $0x35, v0;
	_ =	sdelay $0x3  }
0x1da: {  	[tilespmem:s28+$0x200] =	vst v1  }
0x1db: {  	v1 =	vld.idx.msk [tilespmem:v2+s3+$0x0], $0xffff;
	_ =	sdelay $0x1  }
0x1dc: {  	v2 =	vor.u32 $0x36, v0;
	_ =	sdelay $0x3  }
0x1dd: {  	[tilespmem:s28+$0x280] =	vst v1  }
0x1de: {  	v1 =	vld.idx.msk [tilespmem:v2+s3+$0x0], $0xffff;
	_ =	sdelay $0x1  }
0x1df: {  	v0 =	vor.u32 $0x37, v0  }
.Ltmp6:
0x1e0: {  	(pc) =	sbr.rel @p0 .LBB2_15-.Ltmp6, $3  }
0x1e1: {  	_ =	sdelay $0x1  }
0x1e2: {  	[tilespmem:s28+$0x300] =	vst v1  }
0x1e3: {  	v0 =	vld.idx.msk [tilespmem:v0+s3+$0x0], $0xffff  }
0x1e4: {  	_ =	sdelay $0x3  }
0x1e5: {  	s25 =	sadd.s32 s23, s12;
	s24 =	simm.s32 $0x0;
	[tilespmem:s28+$0x380] =	vst v0  }
0x1e6: {  	[hbm4b:s25+s24] =	stream.linear.scatter [tilespmem:s16], [sflag:$0x1], $0x2000, $0x38;
	[tilespmem:$0x19E00] =	vst v63  }
0x1e7: {  	_ =	swait.ge [sflag:s19], $0x2000  }
0x1e8: {  	[sflag:s19] =	ssyncset.done $0x0  }
0x1e9: {  	[sflag:s19] =	ssyncadd.s32 $0xFFFFE000  }
0x1ea: {  	v0 =	vld [tilespmem:s21+$0x0];
	_ =	sdelay $0x4  }
0x1eb: {  	v0 =	vshll.u32 v0, $0x6  }
0x1ec: {  	v1 =	vor.u32 $0x38, v0;
	_ =	sdelay $0x4  }
0x1ed: {  	v1 =	vld.idx.msk [tilespmem:v1+s3+$0x0], $0xffff  }
0x1ee: {  	v2 =	vor.u32 $0x39, v0  }
0x1ef: {  	s31 =	sand.u32 $0x1C00, s24;
	s26 =	sand.u32 $0x70, s24  }
0x1f0: {  	s25 =	sor.u32 s26, s31  }
0x1f1: {  	s28 =	sadd.s32 $0x15E00, s25  }
0x1f2: {  	[tilespmem:s28+$0x2000] =	vst v1  }
0x1f3: {  	v1 =	vld.idx.msk [tilespmem:v2+s3+$0x0], $0xffff  }
0x1f4: {  	v2 =	vor.u32 $0x3A, v0;
	_ =	sdelay $0x3  }
0x1f5: {  	[tilespmem:s28+$0x2080] =	vst v1  }
0x1f6: {  	v1 =	vld.idx.msk [tilespmem:v2+s3+$0x0], $0xffff  }
0x1f7: {  	v2 =	vor.u32 $0x3B, v0;
	_ =	sdelay $0x3  }
0x1f8: {  	[tilespmem:s28+$0x2100] =	vst v1  }
0x1f9: {  	v1 =	vld.idx.msk [tilespmem:v2+s3+$0x0], $0xffff  }
0x1fa: {  	v2 =	vor.u32 $0x3C, v0;
	_ =	sdelay $0x3  }
0x1fb: {  	[tilespmem:s28+$0x2180] =	vst v1  }
0x1fc: {  	v1 =	vld.idx.msk [tilespmem:v2+s3+$0x0], $0xffff  }
0x1fd: {  	v2 =	vor.u32 $0x3D, v0;
	_ =	sdelay $0x3  }
0x1fe: {  	[tilespmem:s28+$0x2200] =	vst v1  }
0x1ff: {  	v1 =	vld.idx.msk [tilespmem:v2+s3+$0x0], $0xffff  }
0x200: {  	v2 =	vor.u32 $0x3E, v0;
	_ =	sdelay $0x3  }
0x201: {  	[tilespmem:s28+$0x2280] =	vst v1  }
0x202: {  	v1 =	vld.idx.msk [tilespmem:v2+s3+$0x0], $0xffff  }
0x203: {  	v0 =	vor.u32 $0x3F, v0;
	_ =	sdelay $0x3  }
0x204: {  	[tilespmem:s28+$0x2300] =	vst v1  }
0x205: {  	s26 =	smov.u32 s21;
	s25 =	simm.s32 $0x80;
	v0 =	vld.idx.msk [tilespmem:v0+s3+$0x0], $0xffff  }
.LBB2_17:
0x206: {  	_ =	sdelay $0x3  }
0x207: {  	p0 =	sne.s32 s25, $0x1F80;
	s24 =	sadd.s32 $0x10, s24;
	s26 =	sadd.s32 $0x10, s26;
	[tilespmem:s28+$0x2380] =	vst v0  }
0x208: {  	s28 =	smov.u32 s25;
	s25 =	sadd.s32 $0x80, s25;
	v0 =	vld [tilespmem:s26+$0x0];
	_ =	sdelay $0x4  }
0x209: {  	v0 =	vshll.u32 v0, $0x6  }
0x20a: {  	v1 =	vor.u32 $0x38, v0;
	_ =	sdelay $0x4  }
0x20b: {  	v1 =	vld.idx.msk [tilespmem:v1+s3+$0x0], $0xffff;
	_ =	sdelay $0x1  }
0x20c: {  	v2 =	vor.u32 $0x39, v0  }
0x20d: {  	s29 =	sand.u32 $0x70, s24;
	s28 =	sand.u32 $0x1C00, s28  }
0x20e: {  	s28 =	sor.u32 s29, s28  }
0x20f: {  	s28 =	sadd.s32 $0x15E00, s28  }
0x210: {  	[tilespmem:s28+$0x2000] =	vst v1  }
0x211: {  	v1 =	vld.idx.msk [tilespmem:v2+s3+$0x0], $0xffff;
	_ =	sdelay $0x1  }
0x212: {  	v2 =	vor.u32 $0x3A, v0;
	_ =	sdelay $0x3  }
0x213: {  	[tilespmem:s28+$0x2080] =	vst v1  }
0x214: {  	v1 =	vld.idx.msk [tilespmem:v2+s3+$0x0], $0xffff;
	_ =	sdelay $0x1  }
0x215: {  	v2 =	vor.u32 $0x3B, v0;
	_ =	sdelay $0x3  }
0x216: {  	[tilespmem:s28+$0x2100] =	vst v1  }
0x217: {  	v1 =	vld.idx.msk [tilespmem:v2+s3+$0x0], $0xffff;
	_ =	sdelay $0x1  }
0x218: {  	v2 =	vor.u32 $0x3C, v0;
	_ =	sdelay $0x3  }
0x219: {  	[tilespmem:s28+$0x2180] =	vst v1  }
0x21a: {  	v1 =	vld.idx.msk [tilespmem:v2+s3+$0x0], $0xffff;
	_ =	sdelay $0x1  }
0x21b: {  	v2 =	vor.u32 $0x3D, v0;
	_ =	sdelay $0x3  }
0x21c: {  	[tilespmem:s28+$0x2200] =	vst v1  }
0x21d: {  	v1 =	vld.idx.msk [tilespmem:v2+s3+$0x0], $0xffff;
	_ =	sdelay $0x1  }
0x21e: {  	v2 =	vor.u32 $0x3E, v0;
	_ =	sdelay $0x3  }
0x21f: {  	[tilespmem:s28+$0x2280] =	vst v1  }
0x220: {  	v1 =	vld.idx.msk [tilespmem:v2+s3+$0x0], $0xffff;
	_ =	sdelay $0x1  }
0x221: {  	v0 =	vor.u32 $0x3F, v0  }
.Ltmp7:
0x222: {  	(pc) =	sbr.rel @p0 .LBB2_17-.Ltmp7, $3  }
0x223: {  	_ =	sdelay $0x1  }
0x224: {  	[tilespmem:s28+$0x2300] =	vst v1  }
0x225: {  	v0 =	vld.idx.msk [tilespmem:v0+s3+$0x0], $0xffff  }
0x226: {  	s22 =	sadd.s32 $0x1, s22  }
0x227: {  	p0 =	sne.s32 s22, $0x19  }
.Ltmp8:
0x228: {  	_ = 	snop;
	(pc) =	sbr.rel @p0 .LBB2_2-.Ltmp8, $3  }
0x229: {  	_ =	sdelay $0x1  }
0x22a: {  	s23 =	sadd.s32 s23, s13;
	s21 =	sadd.s32 $0x400, s21;
	[tilespmem:s28+$0x2380] =	vst v0  }
0x22b: {  	[hbm4b:s23+s3] =	stream.linear.scatter [tilespmem:s17], [sflag:$0x2], $0x2000, $0x38;
	[tilespmem:$0x19E00] =	vst v63  }
0x22c: {  	s20 =	sadd.s32 $0x1, s20  }
0x22d: {  	_ =	swait.ge [sflag:s18], $0x2000;
	p0 =	sne.s32 s20, s14  }
.Ltmp9:
0x22e: {  	[sflag:s18] =	ssyncset.done $0x0;
	(pc) =	sbr.rel @p0 .LBB2_1-.Ltmp9, $4  }
0x22f: {  	[sflag:s18] =	ssyncadd.s32 $0xFFFFE000  }
0x230: {  	_ =	swait.ge [sflag:s19], $0x2000  }
0x231: {  	[sflag:s19] =	ssyncset.done $0x0  }
0x232: {  	[sflag:s19] =	ssyncadd.s32 $0xFFFFE000  }
0x233: {  	_ =	sfence.sel $0x180000  }
0x234: {  	[bflag:$0x0] =	sbarrier.arrive $0xFFFF  }
0x235: {  	p0 =	sne.s32 s0, $0x0;
	_ =	strace $0x90000047  }
0x236: {  	s0 =	sadd.s32 @!p0 $0x100000, s1;
	[bflag:$0x2] =	sbarrier.arrive $0xFFFF  }
0x237: {  	[sflag:s0] =	ssyncadd.tile.s32 @!p0 $0x1;
	_ =	shalt  }
.Lfunc_end2:
_tile_overlayer_lowered:
.L_overlay_start_2:
0x238: {  	(tag) =	ssettag $0x2  }
0x239: {  	s0 =	rddreg [dreg:$0x0];
	s2 =	stileid.u32  }
0x23a: {  	s1 =	rddreg [dreg:$0x1];
	p0 =	sne.s32 s2, $0x0  }
0x23b: {  	s3 =	rddreg [dreg:$0x2];
	[bflag:$0x3] =	sbarrier.arrive $0xFFFF;
	s2 =	simm.s32 @!p0 $0x1C03  }
0x23c: {  	[timem:s3], [sflag:s2] =	dma.local @!p0 [hbm:s0], s1  }
0x23d: {  	s0 =	simm.s32 @!p0 $0x3  }
0x23e: {  	_ =	swait.ge @!p0 [sflag:s0], s1  }
0x23f: {  	s1 =	ssub.s32 @!p0 $0x0, s1;
	[sflag:s0] =	ssyncset.done @!p0 $0x0  }
0x240: {  	[sflag:s0] =	ssyncadd.s32 @!p0 s1  }
0x241: {  	[bflag:$0x3] =	sbarrier.arrive $0xFFFF  }
0x242: {  	_ =	shalt  }

</sc_bundles>
